<compile_context>
chip_gen: v7x
topology: tpu7x:2x2x1
jax: 0.10.2.dev20260603
libtpu: 0.0.44.dev20260713+nightly
codegen_flags: <defaults>
</compile_context>

<pallas_src>
import functools

import jax
import jax.numpy as jnp
from jax import lax
from jax.experimental import pallas as pl
from jax.experimental.pallas import tpu as pltpu
from jax.experimental.pallas import tpu_sc as plsc

_LANES = 16


def _build(batch, maxlen, vocab, dim):
    info = plsc.get_sparse_core_info()
    nc, ns = info.num_cores, info.num_subcores
    nw = nc * ns
    bw = batch // nw
    ngrp = bw // _LANES

    mesh = plsc.VectorSubcoreMesh(core_axis_name="c", subcore_axis_name="s")

    @functools.partial(
        pl.kernel,
        out_type=jax.ShapeDtypeStruct((maxlen, dim, batch), jnp.float32),
        mesh=mesh,
        scratch_types=[
            pltpu.VMEM((maxlen, bw), jnp.int32),
            [pltpu.VMEM((bw, 2 * dim), jnp.float32)] * 2,
            [pltpu.VMEM((dim, bw), jnp.float32)] * 2,
            [pltpu.VMEM((8, dim), jnp.float32)] * 2,
            pltpu.SemaphoreType.DMA((2,)),
            pltpu.SemaphoreType.DMA((2,)),
            pltpu.SemaphoreType.DMA((2,)),
        ],
        compiler_params=pltpu.CompilerParams(needs_layout_passes=False),
    )
    def emb(xp_hbm, tok_hbm, pos_hbm, out_hbm,
            idxp_v, gbufs, tbufs, pbufs, gsem, psem, osem):
        wid = lax.axis_index("s") * nc + lax.axis_index("c")
        b0 = wid * bw
        pltpu.sync_copy(xp_hbm.at[:, pl.ds(b0, bw)], idxp_v)

        def gather(l, s):
            return pltpu.make_async_copy(
                tok_hbm.at[idxp_v.at[l]], gbufs[s], gsem.at[s])

        def posdma(l, s):
            return pltpu.make_async_copy(pos_hbm.at[l], pbufs[s], psem.at[s])

        def write(l, s):
            return pltpu.make_async_copy(
                tbufs[s], out_hbm.at[l, :, pl.ds(b0, bw)], osem.at[s])

        for s in range(2):
            gather(s, s).start()
            posdma(s, s).start()

        iota = jnp.arange(_LANES, dtype=jnp.int32)
        ndblk = dim // _LANES

        def do_pair(g, _):
            for s in range(2):
                l = g * 2 + s
                gather(l, s).wait()
                posdma(l, s).wait()

                @pl.when(g > 0)
                def _():
                    write(l - 2, s).wait()

                def do_dblk(db, _, s=s):
                    dv = db * _LANES + iota
                    psp = pbufs[s][0, pl.ds(db * _LANES, _LANES)]

                    @plsc.parallel_loop(0, bw, unroll=8)
                    def _(v, s=s, dv=dv, psp=psp):
                        rowv = ((iota + v) & (_LANES - 1)) + (v & -_LANES)
                        g = plsc.load_gather(gbufs[s], [rowv, dv])
                        plsc.store_scatter(tbufs[s], [dv, rowv], g + psp)

                    return ()

                lax.fori_loop(0, ndblk, do_dblk, ())
                write(l, s).start()

                @pl.when(g < maxlen // 2 - 1)
                def _():
                    gather(l + 2, s).start()
                    posdma(l + 2, s).start()
            return ()

        lax.fori_loop(0, maxlen // 2, do_pair, ())

        for s in range(2):
            write(maxlen - 2 + s, s).wait()

    return emb


def kernel(x, token_table, pos_table):
    batch, maxlen = x.shape
    vocab, dim = token_table.shape
    xp = x.astype(jnp.int32).T
    posb = jnp.broadcast_to(pos_table[:, None, :], (maxlen, 8, dim))
    emb = _build(batch, maxlen, vocab, dim)
    tok2 = jnp.pad(token_table, ((0, 0), (0, dim)))
    out_t = emb(xp, tok2, posb)
    return out_t.transpose(2, 0, 1)

# --- scband reference (transcript-rebuilt; emitter-appended) ---
"""Pipeline reference for scband-token-and-position-embedding-35029753266708 (READ-ONLY COPY).

The authoritative reference and input builder live on the scoring server;
editing this copy changes nothing except your own understanding.
"""

import jax, jax.numpy as jnp
import numpy as np

VOCAB = 1000000
MAXLEN = 200
EMBED_DIM = 64
BATCH = 4096

def setup_inputs(seed: int = 0) -> dict:
    key = jax.random.key(seed)
    k1, k2, k3 = jax.random.split(key, 3)
    x = jax.random.randint(k1, (BATCH, MAXLEN), 0, VOCAB, dtype=jnp.int64 if jax.config.jax_enable_x64 else jnp.int32)
    token_table = jax.random.normal(k2, (VOCAB, EMBED_DIM), dtype=jnp.float32) * 0.05
    pos_table = jax.random.normal(k3, (MAXLEN, EMBED_DIM), dtype=jnp.float32) * 0.05
    return {"x": x, "token_table": token_table, "pos_table": pos_table}

def reference(x, token_table, pos_table):
    # positions = range(0, maxlen); pos_emb lookup
    maxlen = x.shape[-1]
    positions = jnp.arange(maxlen)
    pos = jnp.take(pos_table, positions, axis=0)          # [L, D]
    tok = jnp.take(token_table, x, axis=0)                # [B, L, D]
    return tok + pos[None, :, :]

if __name__ == "__main__":
    import jax
    _d = setup_inputs()
    print(jax.jit(kernel)(*tuple(_d.values())))

</pallas_src>

<mosaic_0001>
#map = affine_map<(d0, d1) -> (0, 0)>
#map1 = affine_map<(d0, d1) -> (0, 0, 0)>
module attributes {stable_mosaic.version = 14 : i64} {
  func.func @emb(%arg0: i32, %arg1: i32, %arg2: memref<200x4096xi32, #tpu.memory_space<hbm>>, %arg3: memref<1000000x128xf32, #tpu.memory_space<hbm>>, %arg4: memref<200x8x64xf32, #tpu.memory_space<hbm>>, %arg5: memref<200x64x4096xf32, #tpu.memory_space<hbm>>, %arg6: memref<200x128xi32, #tpu.memory_space<vmem>>, %arg7: memref<128x128xf32, #tpu.memory_space<vmem>>, %arg8: memref<128x128xf32, #tpu.memory_space<vmem>>, %arg9: memref<64x128xf32, #tpu.memory_space<vmem>>, %arg10: memref<64x128xf32, #tpu.memory_space<vmem>>, %arg11: memref<8x64xf32, #tpu.memory_space<vmem>>, %arg12: memref<8x64xf32, #tpu.memory_space<vmem>>, %arg13: memref<2x!tpu.dma_semaphore, #tpu.memory_space<semaphore_mem>>, %arg14: memref<2x!tpu.dma_semaphore, #tpu.memory_space<semaphore_mem>>, %arg15: memref<2x!tpu.dma_semaphore, #tpu.memory_space<semaphore_mem>>) attributes {dimension_semantics = [#tpu.dimension_semantics<core_parallel>, #tpu.dimension_semantics<subcore_parallel>], iteration_bounds = array<i64: 2, 16>, scalar_prefetch = 0 : i64, scratch_operands = 10 : i64, tpu.core_type = #tpu.core_type<sc_vector_subcore>, window_params = [{transform_indices = #map}, {transform_indices = #map}, {transform_indices = #map1}, {transform_indices = #map1}]} {
    %mul3A = arith.constant 2 : i32
    %mul3A_0 = arith.muli %arg1, %mul3A : i32
    %add3A = arith.addi %mul3A_0, %arg0 : i32
    %mul3A_1 = arith.constant 128 : i32
    %mul3A_2 = arith.muli %add3A, %mul3A_1 : i32
    "tpu.region"() ({
      %run_scoped3A = tpu.sem_alloc : memref<!tpu.dma_semaphore, #tpu.memory_space<semaphore_mem>>
      %dma_start3A_69 = arith.constant 0 : i32
      %dma_start3A_70 = tpu.memref_slice %arg2[%dma_start3A_69, %mul3A_2] : memref<200x4096xi32, #tpu.memory_space<hbm>> -> memref<200x128xi32, #tpu.memory_space<hbm>>
      %dma_start3A_71 = arith.constant 0 : i32
      %dma_start3A_72 = tpu.memref_slice %arg2[%dma_start3A_71, %mul3A_2] : memref<200x4096xi32, #tpu.memory_space<hbm>> -> memref<200x128xi32, #tpu.memory_space<hbm>>
      tpu.enqueue_dma source(%dma_start3A_72 : memref<200x128xi32, #tpu.memory_space<hbm>>) target(%arg6 : memref<200x128xi32, #tpu.memory_space<vmem>>) target_semaphore(%run_scoped3A : memref<!tpu.dma_semaphore, #tpu.memory_space<semaphore_mem>>)
      %dma_wait3A_73 = arith.constant 0 : i32
      %dma_wait3A_74 = tpu.memref_slice %arg2[%dma_wait3A_73, %mul3A_2] : memref<200x4096xi32, #tpu.memory_space<hbm>> -> memref<200x128xi32, #tpu.memory_space<hbm>>
      %dma_wait3A_75 = arith.constant 0 : i32
      %dma_wait3A_76 = tpu.memref_slice %arg2[%dma_wait3A_75, %mul3A_2] : memref<200x4096xi32, #tpu.memory_space<hbm>> -> memref<200x128xi32, #tpu.memory_space<hbm>>
      tpu.wait_dma2 semaphore(%run_scoped3A : memref<!tpu.dma_semaphore, #tpu.memory_space<semaphore_mem>>) src(%dma_wait3A_76 : memref<200x128xi32, #tpu.memory_space<hbm>>) dst(%arg6 : memref<200x128xi32, #tpu.memory_space<vmem>>)
      tpu.yield
    }) : () -> ()
    %dma_start3A = arith.constant 0 : i32
    %dma_start3A_3 = arith.constant 0 : i32
    %dma_start3A_4 = arith.constant 0 : i32
    %dma_start3A_5 = tpu.memref_slice %arg6[%dma_start3A, %dma_start3A_4] : memref<200x128xi32, #tpu.memory_space<vmem>> -> memref<1x128xi32, #tpu.memory_space<vmem>>
    %dma_start3A_6 = tpu.memref_squeeze %dma_start3A_5 : memref<1x128xi32, #tpu.memory_space<vmem>> -> memref<128xi32, #tpu.memory_space<vmem>>
    %dma_start3A_7 = arith.constant 0 : i32
    %dma_start3A_8 = arith.constant 0 : i32
    %dma_start3A_9 = tpu.memref_slice %arg3[%dma_start3A_7, %dma_start3A_8] : memref<1000000x128xf32, #tpu.memory_space<hbm>> -> memref<1000000x128xf32, #tpu.memory_space<hbm>>
    %dma_start3A_10 = tpu.memref_slice %arg13[%dma_start3A_3] : memref<2x!tpu.dma_semaphore, #tpu.memory_space<semaphore_mem>> -> memref<1x!tpu.dma_semaphore, #tpu.memory_space<semaphore_mem>>
    %dma_start3A_11 = tpu.memref_squeeze %dma_start3A_10 : memref<1x!tpu.dma_semaphore, #tpu.memory_space<semaphore_mem>> -> memref<!tpu.dma_semaphore, #tpu.memory_space<semaphore_mem>>
    tpu.enqueue_indirect_dma source(%dma_start3A_9 : memref<1000000x128xf32, #tpu.memory_space<hbm>>) target(%arg7 : memref<128x128xf32, #tpu.memory_space<vmem>>) offsets(%dma_start3A_6 : memref<128xi32, #tpu.memory_space<vmem>>) semaphore(%dma_start3A_11 : memref<!tpu.dma_semaphore, #tpu.memory_space<semaphore_mem>>)
    %dma_start3A_12 = arith.constant 0 : i32
    %dma_start3A_13 = arith.constant 0 : i32
    %dma_start3A_14 = arith.constant 0 : i32
    %dma_start3A_15 = arith.constant 0 : i32
    %dma_start3A_16 = tpu.memref_slice %arg4[%dma_start3A_12, %dma_start3A_14, %dma_start3A_15] : memref<200x8x64xf32, #tpu.memory_space<hbm>> -> memref<1x8x64xf32, #tpu.memory_space<hbm>>
    %dma_start3A_17 = tpu.memref_squeeze %dma_start3A_16 : memref<1x8x64xf32, #tpu.memory_space<hbm>> -> memref<8x64xf32, #tpu.memory_space<hbm>>
    %dma_start3A_18 = tpu.memref_slice %arg14[%dma_start3A_13] : memref<2x!tpu.dma_semaphore, #tpu.memory_space<semaphore_mem>> -> memref<1x!tpu.dma_semaphore, #tpu.memory_space<semaphore_mem>>
    %dma_start3A_19 = tpu.memref_squeeze %dma_start3A_18 : memref<1x!tpu.dma_semaphore, #tpu.memory_space<semaphore_mem>> -> memref<!tpu.dma_semaphore, #tpu.memory_space<semaphore_mem>>
    %dma_start3A_20 = arith.constant 0 : i32
    %dma_start3A_21 = arith.constant 0 : i32
    %dma_start3A_22 = tpu.memref_slice %arg4[%dma_start3A_12, %dma_start3A_20, %dma_start3A_21] : memref<200x8x64xf32, #tpu.memory_space<hbm>> -> memref<1x8x64xf32, #tpu.memory_space<hbm>>
    %dma_start3A_23 = tpu.memref_squeeze %dma_start3A_22 : memref<1x8x64xf32, #tpu.memory_space<hbm>> -> memref<8x64xf32, #tpu.memory_space<hbm>>
    tpu.enqueue_dma source(%dma_start3A_23 : memref<8x64xf32, #tpu.memory_space<hbm>>) target(%arg11 : memref<8x64xf32, #tpu.memory_space<vmem>>) target_semaphore(%dma_start3A_19 : memref<!tpu.dma_semaphore, #tpu.memory_space<semaphore_mem>>)
    %dma_start3A_24 = arith.constant 1 : i32
    %dma_start3A_25 = arith.constant 1 : i32
    %dma_start3A_26 = arith.constant 0 : i32
    %dma_start3A_27 = tpu.memref_slice %arg6[%dma_start3A_24, %dma_start3A_26] : memref<200x128xi32, #tpu.memory_space<vmem>> -> memref<1x128xi32, #tpu.memory_space<vmem>>
    %dma_start3A_28 = tpu.memref_squeeze %dma_start3A_27 : memref<1x128xi32, #tpu.memory_space<vmem>> -> memref<128xi32, #tpu.memory_space<vmem>>
    %dma_start3A_29 = arith.constant 0 : i32
    %dma_start3A_30 = arith.constant 0 : i32
    %dma_start3A_31 = tpu.memref_slice %arg3[%dma_start3A_29, %dma_start3A_30] : memref<1000000x128xf32, #tpu.memory_space<hbm>> -> memref<1000000x128xf32, #tpu.memory_space<hbm>>
    %dma_start3A_32 = tpu.memref_slice %arg13[%dma_start3A_25] : memref<2x!tpu.dma_semaphore, #tpu.memory_space<semaphore_mem>> -> memref<1x!tpu.dma_semaphore, #tpu.memory_space<semaphore_mem>>
    %dma_start3A_33 = tpu.memref_squeeze %dma_start3A_32 : memref<1x!tpu.dma_semaphore, #tpu.memory_space<semaphore_mem>> -> memref<!tpu.dma_semaphore, #tpu.memory_space<semaphore_mem>>
    tpu.enqueue_indirect_dma source(%dma_start3A_31 : memref<1000000x128xf32, #tpu.memory_space<hbm>>) target(%arg8 : memref<128x128xf32, #tpu.memory_space<vmem>>) offsets(%dma_start3A_28 : memref<128xi32, #tpu.memory_space<vmem>>) semaphore(%dma_start3A_33 : memref<!tpu.dma_semaphore, #tpu.memory_space<semaphore_mem>>)
    %dma_start3A_34 = arith.constant 1 : i32
    %dma_start3A_35 = arith.constant 1 : i32
    %dma_start3A_36 = arith.constant 0 : i32
    %dma_start3A_37 = arith.constant 0 : i32
    %dma_start3A_38 = tpu.memref_slice %arg4[%dma_start3A_34, %dma_start3A_36, %dma_start3A_37] : memref<200x8x64xf32, #tpu.memory_space<hbm>> -> memref<1x8x64xf32, #tpu.memory_space<hbm>>
    %dma_start3A_39 = tpu.memref_squeeze %dma_start3A_38 : memref<1x8x64xf32, #tpu.memory_space<hbm>> -> memref<8x64xf32, #tpu.memory_space<hbm>>
    %dma_start3A_40 = tpu.memref_slice %arg14[%dma_start3A_35] : memref<2x!tpu.dma_semaphore, #tpu.memory_space<semaphore_mem>> -> memref<1x!tpu.dma_semaphore, #tpu.memory_space<semaphore_mem>>
    %dma_start3A_41 = tpu.memref_squeeze %dma_start3A_40 : memref<1x!tpu.dma_semaphore, #tpu.memory_space<semaphore_mem>> -> memref<!tpu.dma_semaphore, #tpu.memory_space<semaphore_mem>>
    %dma_start3A_42 = arith.constant 0 : i32
    %dma_start3A_43 = arith.constant 0 : i32
    %dma_start3A_44 = tpu.memref_slice %arg4[%dma_start3A_34, %dma_start3A_42, %dma_start3A_43] : memref<200x8x64xf32, #tpu.memory_space<hbm>> -> memref<1x8x64xf32, #tpu.memory_space<hbm>>
    %dma_start3A_45 = tpu.memref_squeeze %dma_start3A_44 : memref<1x8x64xf32, #tpu.memory_space<hbm>> -> memref<8x64xf32, #tpu.memory_space<hbm>>
    tpu.enqueue_dma source(%dma_start3A_45 : memref<8x64xf32, #tpu.memory_space<hbm>>) target(%arg12 : memref<8x64xf32, #tpu.memory_space<vmem>>) target_semaphore(%dma_start3A_41 : memref<!tpu.dma_semaphore, #tpu.memory_space<semaphore_mem>>)
    %iota3A = tpu.iota {dimensions = array<i32: 0>} : vector<16xi32>
    %scan3A = arith.constant 0 : i32
    %scan3A_46 = arith.constant 100 : i32
    %scan3A_47 = arith.addi %scan3A, %scan3A_46 : i32
    %scan3A_48 = arith.constant 1 : i32
    scf.for %scan3A_69 = %scan3A to %scan3A_47 step %scan3A_48  : i32 {
      %mul3A_70 = arith.constant 2 : i32
      %mul3A_71 = arith.muli %scan3A_69, %mul3A_70 : i32
      %add3A_72 = arith.constant 0 : i32
      %add3A_73 = arith.addi %mul3A_71, %add3A_72 : i32
      %dma_wait3A_74 = arith.constant 0 : i32
      %dma_wait3A_75 = arith.constant 0 : i32
      %dma_wait3A_76 = tpu.memref_slice %arg6[%add3A_73, %dma_wait3A_75] : memref<200x128xi32, #tpu.memory_space<vmem>> -> memref<1x128xi32, #tpu.memory_space<vmem>>
      %dma_wait3A_77 = tpu.memref_squeeze %dma_wait3A_76 : memref<1x128xi32, #tpu.memory_space<vmem>> -> memref<128xi32, #tpu.memory_space<vmem>>
      %dma_wait3A_78 = arith.constant 0 : i32
      %dma_wait3A_79 = arith.constant 0 : i32
      %dma_wait3A_80 = tpu.memref_slice %arg3[%dma_wait3A_78, %dma_wait3A_79] : memref<1000000x128xf32, #tpu.memory_space<hbm>> -> memref<1000000x128xf32, #tpu.memory_space<hbm>>
      %dma_wait3A_81 = tpu.memref_slice %arg13[%dma_wait3A_74] : memref<2x!tpu.dma_semaphore, #tpu.memory_space<semaphore_mem>> -> memref<1x!tpu.dma_semaphore, #tpu.memory_space<semaphore_mem>>
      %dma_wait3A_82 = tpu.memref_squeeze %dma_wait3A_81 : memref<1x!tpu.dma_semaphore, #tpu.memory_space<semaphore_mem>> -> memref<!tpu.dma_semaphore, #tpu.memory_space<semaphore_mem>>
      tpu.wait_indirect_dma semaphore(%dma_wait3A_82 : memref<!tpu.dma_semaphore, #tpu.memory_space<semaphore_mem>>) src(%dma_wait3A_80 : memref<1000000x128xf32, #tpu.memory_space<hbm>>) dst(%arg7 : memref<128x128xf32, #tpu.memory_space<vmem>>)
      %dma_wait3A_83 = arith.constant 0 : i32
      %dma_wait3A_84 = arith.constant 0 : i32
      %dma_wait3A_85 = arith.constant 0 : i32
      %dma_wait3A_86 = tpu.memref_slice %arg4[%add3A_73, %dma_wait3A_84, %dma_wait3A_85] : memref<200x8x64xf32, #tpu.memory_space<hbm>> -> memref<1x8x64xf32, #tpu.memory_space<hbm>>
      %dma_wait3A_87 = tpu.memref_squeeze %dma_wait3A_86 : memref<1x8x64xf32, #tpu.memory_space<hbm>> -> memref<8x64xf32, #tpu.memory_space<hbm>>
      %dma_wait3A_88 = tpu.memref_slice %arg14[%dma_wait3A_83] : memref<2x!tpu.dma_semaphore, #tpu.memory_space<semaphore_mem>> -> memref<1x!tpu.dma_semaphore, #tpu.memory_space<semaphore_mem>>
      %dma_wait3A_89 = tpu.memref_squeeze %dma_wait3A_88 : memref<1x!tpu.dma_semaphore, #tpu.memory_space<semaphore_mem>> -> memref<!tpu.dma_semaphore, #tpu.memory_space<semaphore_mem>>
      %dma_wait3A_90 = arith.constant 0 : i32
      %dma_wait3A_91 = arith.constant 0 : i32
      %dma_wait3A_92 = tpu.memref_slice %arg4[%add3A_73, %dma_wait3A_90, %dma_wait3A_91] : memref<200x8x64xf32, #tpu.memory_space<hbm>> -> memref<1x8x64xf32, #tpu.memory_space<hbm>>
      %dma_wait3A_93 = tpu.memref_squeeze %dma_wait3A_92 : memref<1x8x64xf32, #tpu.memory_space<hbm>> -> memref<8x64xf32, #tpu.memory_space<hbm>>
      tpu.wait_dma2 semaphore(%dma_wait3A_89 : memref<!tpu.dma_semaphore, #tpu.memory_space<semaphore_mem>>) src(%dma_wait3A_93 : memref<8x64xf32, #tpu.memory_space<hbm>>) dst(%arg11 : memref<8x64xf32, #tpu.memory_space<vmem>>)
      %gt3A = arith.constant 0 : i32
      %gt3A_94 = arith.cmpi sgt, %scan3A_69, %gt3A : i32
      %convert_element_type3A = arith.extui %gt3A_94 : i1 to i32
      %cond3A = arith.constant 0 : i32
      %cond3A_95 = arith.cmpi ne, %convert_element_type3A, %cond3A : i32
      scf.if %cond3A_95 {
        %sub3A = arith.constant 2 : i32
        %sub3A_162 = arith.subi %add3A_73, %sub3A : i32
        %dma_wait3A_163 = arith.constant 0 : i32
        %dma_wait3A_164 = arith.constant 0 : i32
        %dma_wait3A_165 = tpu.memref_slice %arg5[%sub3A_162, %dma_wait3A_164, %mul3A_2] : memref<200x64x4096xf32, #tpu.memory_space<hbm>> -> memref<1x64x128xf32, #tpu.memory_space<hbm>>
        %dma_wait3A_166 = tpu.memref_squeeze %dma_wait3A_165 : memref<1x64x128xf32, #tpu.memory_space<hbm>> -> memref<64x128xf32, #tpu.memory_space<hbm>>
        %dma_wait3A_167 = tpu.memref_slice %arg15[%dma_wait3A_163] : memref<2x!tpu.dma_semaphore, #tpu.memory_space<semaphore_mem>> -> memref<1x!tpu.dma_semaphore, #tpu.memory_space<semaphore_mem>>
        %dma_wait3A_168 = tpu.memref_squeeze %dma_wait3A_167 : memref<1x!tpu.dma_semaphore, #tpu.memory_space<semaphore_mem>> -> memref<!tpu.dma_semaphore, #tpu.memory_space<semaphore_mem>>
        %dma_wait3A_169 = arith.constant 0 : i32
        %dma_wait3A_170 = tpu.memref_slice %arg5[%sub3A_162, %dma_wait3A_169, %mul3A_2] : memref<200x64x4096xf32, #tpu.memory_space<hbm>> -> memref<1x64x128xf32, #tpu.memory_space<hbm>>
        %dma_wait3A_171 = tpu.memref_squeeze %dma_wait3A_170 : memref<1x64x128xf32, #tpu.memory_space<hbm>> -> memref<64x128xf32, #tpu.memory_space<hbm>>
        tpu.wait_dma2 semaphore(%dma_wait3A_168 : memref<!tpu.dma_semaphore, #tpu.memory_space<semaphore_mem>>) src(%arg9 : memref<64x128xf32, #tpu.memory_space<vmem>>) dst(%dma_wait3A_171 : memref<64x128xf32, #tpu.memory_space<hbm>>)
      } else {
      }
      %scan3A_96 = arith.constant 0 : i32
      %scan3A_97 = arith.constant 4 : i32
      %scan3A_98 = arith.addi %scan3A_96, %scan3A_97 : i32
      %scan3A_99 = arith.constant 1 : i32
      scf.for %scan3A_162 = %scan3A_96 to %scan3A_98 step %scan3A_99  : i32 {
        %mul3A_163 = arith.constant 16 : i32
        %mul3A_164 = arith.muli %scan3A_162, %mul3A_163 : i32
        %add3A_165 = vector.broadcast %mul3A_164 : i32 to vector<16xi32>
        %add3A_166 = arith.addi %add3A_165, %iota3A : vector<16xi32>
        %mul3A_167 = arith.constant 16 : i32
        %mul3A_168 = arith.muli %scan3A_162, %mul3A_167 : i32
        %get3A = arith.constant 0 : i32
        %get3A_169 = arith.index_cast %get3A : i32 to index
        %get3A_170 = arith.index_cast %mul3A_168 : i32 to index
        %get3A_171 = tpu.vector_load %arg11[%get3A_169, %get3A_170] {strides = array<i32>} : memref<8x64xf32, #tpu.memory_space<vmem>>, vector<16xf32>,
        %parallel_loop3A = arith.constant 0 : i32
        %parallel_loop3A_172 = arith.constant 128 : i32
        %parallel_loop3A_173 = arith.constant 1 : i32
        scf.for %parallel_loop3A_174 = %parallel_loop3A to %parallel_loop3A_172 step %parallel_loop3A_173  : i32 {
          %parallel_loop3A_175 = vector.broadcast %parallel_loop3A_174 : i32 to vector<16xi32>
          %parallel_loop3A_176 = arith.addi %iota3A, %parallel_loop3A_175 : vector<16xi32>
          %parallel_loop3A_177 = arith.constant 15 : i32
          %parallel_loop3A_178 = vector.broadcast %parallel_loop3A_177 : i32 to vector<16xi32>
          %parallel_loop3A_179 = arith.andi %parallel_loop3A_176, %parallel_loop3A_178 : vector<16xi32>
          %parallel_loop3A_180 = arith.constant -16 : i32
          %parallel_loop3A_181 = arith.andi %parallel_loop3A_174, %parallel_loop3A_180 : i32
          %parallel_loop3A_182 = vector.broadcast %parallel_loop3A_181 : i32 to vector<16xi32>
          %parallel_loop3A_183 = arith.addi %parallel_loop3A_179, %parallel_loop3A_182 : vector<16xi32>
          %parallel_loop3A_184 = tpu.vector_load_idx %arg7[%parallel_loop3A_183, %add3A_166] : memref<128x128xf32, #tpu.memory_space<vmem>>[vector<16xi32>, vector<16xi32>], vector<16xf32>,
          %parallel_loop3A_185 = arith.addf %parallel_loop3A_184, %get3A_171 : vector<16xf32>
          tpu.vector_store_idx %arg9[%add3A_166, %parallel_loop3A_183], %parallel_loop3A_185 : memref<64x128xf32, #tpu.memory_space<vmem>>[vector<16xi32>, vector<16xi32>], vector<16xf32>,
        } {sc.loop_unroll_factor = 8 : i64, sc.parallel_access}
      }
      %scan3A_100 = arith.constant 4 : i32
      %dma_start3A_101 = arith.constant 0 : i32
      %dma_start3A_102 = arith.constant 0 : i32
      %dma_start3A_103 = tpu.memref_slice %arg5[%add3A_73, %dma_start3A_102, %mul3A_2] : memref<200x64x4096xf32, #tpu.memory_space<hbm>> -> memref<1x64x128xf32, #tpu.memory_space<hbm>>
      %dma_start3A_104 = tpu.memref_squeeze %dma_start3A_103 : memref<1x64x128xf32, #tpu.memory_space<hbm>> -> memref<64x128xf32, #tpu.memory_space<hbm>>
      %dma_start3A_105 = tpu.memref_slice %arg15[%dma_start3A_101] : memref<2x!tpu.dma_semaphore, #tpu.memory_space<semaphore_mem>> -> memref<1x!tpu.dma_semaphore, #tpu.memory_space<semaphore_mem>>
      %dma_start3A_106 = tpu.memref_squeeze %dma_start3A_105 : memref<1x!tpu.dma_semaphore, #tpu.memory_space<semaphore_mem>> -> memref<!tpu.dma_semaphore, #tpu.memory_space<semaphore_mem>>
      %dma_start3A_107 = arith.constant 0 : i32
      %dma_start3A_108 = tpu.memref_slice %arg5[%add3A_73, %dma_start3A_107, %mul3A_2] : memref<200x64x4096xf32, #tpu.memory_space<hbm>> -> memref<1x64x128xf32, #tpu.memory_space<hbm>>
      %dma_start3A_109 = tpu.memref_squeeze %dma_start3A_108 : memref<1x64x128xf32, #tpu.memory_space<hbm>> -> memref<64x128xf32, #tpu.memory_space<hbm>>
      tpu.enqueue_dma source(%arg9 : memref<64x128xf32, #tpu.memory_space<vmem>>) target(%dma_start3A_109 : memref<64x128xf32, #tpu.memory_space<hbm>>) target_semaphore(%dma_start3A_106 : memref<!tpu.dma_semaphore, #tpu.memory_space<semaphore_mem>>)
      %lt3A = arith.constant 99 : i32
      %lt3A_110 = arith.cmpi slt, %scan3A_69, %lt3A : i32
      %convert_element_type3A_111 = arith.extui %lt3A_110 : i1 to i32
      %cond3A_112 = arith.constant 0 : i32
      %cond3A_113 = arith.cmpi ne, %convert_element_type3A_111, %cond3A_112 : i32
      scf.if %cond3A_113 {
        %add3A_162 = arith.constant 2 : i32
        %add3A_163 = arith.addi %add3A_73, %add3A_162 : i32
        %dma_start3A_164 = arith.constant 0 : i32
        %dma_start3A_165 = arith.constant 0 : i32
        %dma_start3A_166 = tpu.memref_slice %arg6[%add3A_163, %dma_start3A_165] : memref<200x128xi32, #tpu.memory_space<vmem>> -> memref<1x128xi32, #tpu.memory_space<vmem>>
        %dma_start3A_167 = tpu.memref_squeeze %dma_start3A_166 : memref<1x128xi32, #tpu.memory_space<vmem>> -> memref<128xi32, #tpu.memory_space<vmem>>
        %dma_start3A_168 = arith.constant 0 : i32
        %dma_start3A_169 = arith.constant 0 : i32
        %dma_start3A_170 = tpu.memref_slice %arg3[%dma_start3A_168, %dma_start3A_169] : memref<1000000x128xf32, #tpu.memory_space<hbm>> -> memref<1000000x128xf32, #tpu.memory_space<hbm>>
        %dma_start3A_171 = tpu.memref_slice %arg13[%dma_start3A_164] : memref<2x!tpu.dma_semaphore, #tpu.memory_space<semaphore_mem>> -> memref<1x!tpu.dma_semaphore, #tpu.memory_space<semaphore_mem>>
        %dma_start3A_172 = tpu.memref_squeeze %dma_start3A_171 : memref<1x!tpu.dma_semaphore, #tpu.memory_space<semaphore_mem>> -> memref<!tpu.dma_semaphore, #tpu.memory_space<semaphore_mem>>
        tpu.enqueue_indirect_dma source(%dma_start3A_170 : memref<1000000x128xf32, #tpu.memory_space<hbm>>) target(%arg7 : memref<128x128xf32, #tpu.memory_space<vmem>>) offsets(%dma_start3A_167 : memref<128xi32, #tpu.memory_space<vmem>>) semaphore(%dma_start3A_172 : memref<!tpu.dma_semaphore, #tpu.memory_space<semaphore_mem>>)
        %add3A_173 = arith.constant 2 : i32
        %add3A_174 = arith.addi %add3A_73, %add3A_173 : i32
        %dma_start3A_175 = arith.constant 0 : i32
        %dma_start3A_176 = arith.constant 0 : i32
        %dma_start3A_177 = arith.constant 0 : i32
        %dma_start3A_178 = tpu.memref_slice %arg4[%add3A_174, %dma_start3A_176, %dma_start3A_177] : memref<200x8x64xf32, #tpu.memory_space<hbm>> -> memref<1x8x64xf32, #tpu.memory_space<hbm>>
        %dma_start3A_179 = tpu.memref_squeeze %dma_start3A_178 : memref<1x8x64xf32, #tpu.memory_space<hbm>> -> memref<8x64xf32, #tpu.memory_space<hbm>>
        %dma_start3A_180 = tpu.memref_slice %arg14[%dma_start3A_175] : memref<2x!tpu.dma_semaphore, #tpu.memory_space<semaphore_mem>> -> memref<1x!tpu.dma_semaphore, #tpu.memory_space<semaphore_mem>>
        %dma_start3A_181 = tpu.memref_squeeze %dma_start3A_180 : memref<1x!tpu.dma_semaphore, #tpu.memory_space<semaphore_mem>> -> memref<!tpu.dma_semaphore, #tpu.memory_space<semaphore_mem>>
        %dma_start3A_182 = arith.constant 0 : i32
        %dma_start3A_183 = arith.constant 0 : i32
        %dma_start3A_184 = tpu.memref_slice %arg4[%add3A_174, %dma_start3A_182, %dma_start3A_183] : memref<200x8x64xf32, #tpu.memory_space<hbm>> -> memref<1x8x64xf32, #tpu.memory_space<hbm>>
        %dma_start3A_185 = tpu.memref_squeeze %dma_start3A_184 : memref<1x8x64xf32, #tpu.memory_space<hbm>> -> memref<8x64xf32, #tpu.memory_space<hbm>>
        tpu.enqueue_dma source(%dma_start3A_185 : memref<8x64xf32, #tpu.memory_space<hbm>>) target(%arg11 : memref<8x64xf32, #tpu.memory_space<vmem>>) target_semaphore(%dma_start3A_181 : memref<!tpu.dma_semaphore, #tpu.memory_space<semaphore_mem>>)
      } else {
      }
      %mul3A_114 = arith.constant 2 : i32
      %mul3A_115 = arith.muli %scan3A_69, %mul3A_114 : i32
      %add3A_116 = arith.constant 1 : i32
      %add3A_117 = arith.addi %mul3A_115, %add3A_116 : i32
      %dma_wait3A_118 = arith.constant 1 : i32
      %dma_wait3A_119 = arith.constant 0 : i32
      %dma_wait3A_120 = tpu.memref_slice %arg6[%add3A_117, %dma_wait3A_119] : memref<200x128xi32, #tpu.memory_space<vmem>> -> memref<1x128xi32, #tpu.memory_space<vmem>>
      %dma_wait3A_121 = tpu.memref_squeeze %dma_wait3A_120 : memref<1x128xi32, #tpu.memory_space<vmem>> -> memref<128xi32, #tpu.memory_space<vmem>>
      %dma_wait3A_122 = arith.constant 0 : i32
      %dma_wait3A_123 = arith.constant 0 : i32
      %dma_wait3A_124 = tpu.memref_slice %arg3[%dma_wait3A_122, %dma_wait3A_123] : memref<1000000x128xf32, #tpu.memory_space<hbm>> -> memref<1000000x128xf32, #tpu.memory_space<hbm>>
      %dma_wait3A_125 = tpu.memref_slice %arg13[%dma_wait3A_118] : memref<2x!tpu.dma_semaphore, #tpu.memory_space<semaphore_mem>> -> memref<1x!tpu.dma_semaphore, #tpu.memory_space<semaphore_mem>>
      %dma_wait3A_126 = tpu.memref_squeeze %dma_wait3A_125 : memref<1x!tpu.dma_semaphore, #tpu.memory_space<semaphore_mem>> -> memref<!tpu.dma_semaphore, #tpu.memory_space<semaphore_mem>>
      tpu.wait_indirect_dma semaphore(%dma_wait3A_126 : memref<!tpu.dma_semaphore, #tpu.memory_space<semaphore_mem>>) src(%dma_wait3A_124 : memref<1000000x128xf32, #tpu.memory_space<hbm>>) dst(%arg8 : memref<128x128xf32, #tpu.memory_space<vmem>>)
      %dma_wait3A_127 = arith.constant 1 : i32
      %dma_wait3A_128 = arith.constant 0 : i32
      %dma_wait3A_129 = arith.constant 0 : i32
      %dma_wait3A_130 = tpu.memref_slice %arg4[%add3A_117, %dma_wait3A_128, %dma_wait3A_129] : memref<200x8x64xf32, #tpu.memory_space<hbm>> -> memref<1x8x64xf32, #tpu.memory_space<hbm>>
      %dma_wait3A_131 = tpu.memref_squeeze %dma_wait3A_130 : memref<1x8x64xf32, #tpu.memory_space<hbm>> -> memref<8x64xf32, #tpu.memory_space<hbm>>
      %dma_wait3A_132 = tpu.memref_slice %arg14[%dma_wait3A_127] : memref<2x!tpu.dma_semaphore, #tpu.memory_space<semaphore_mem>> -> memref<1x!tpu.dma_semaphore, #tpu.memory_space<semaphore_mem>>
      %dma_wait3A_133 = tpu.memref_squeeze %dma_wait3A_132 : memref<1x!tpu.dma_semaphore, #tpu.memory_space<semaphore_mem>> -> memref<!tpu.dma_semaphore, #tpu.memory_space<semaphore_mem>>
      %dma_wait3A_134 = arith.constant 0 : i32
      %dma_wait3A_135 = arith.constant 0 : i32
      %dma_wait3A_136 = tpu.memref_slice %arg4[%add3A_117, %dma_wait3A_134, %dma_wait3A_135] : memref<200x8x64xf32, #tpu.memory_space<hbm>> -> memref<1x8x64xf32, #tpu.memory_space<hbm>>
      %dma_wait3A_137 = tpu.memref_squeeze %dma_wait3A_136 : memref<1x8x64xf32, #tpu.memory_space<hbm>> -> memref<8x64xf32, #tpu.memory_space<hbm>>
      tpu.wait_dma2 semaphore(%dma_wait3A_133 : memref<!tpu.dma_semaphore, #tpu.memory_space<semaphore_mem>>) src(%dma_wait3A_137 : memref<8x64xf32, #tpu.memory_space<hbm>>) dst(%arg12 : memref<8x64xf32, #tpu.memory_space<vmem>>)
      %gt3A_138 = arith.constant 0 : i32
      %gt3A_139 = arith.cmpi sgt, %scan3A_69, %gt3A_138 : i32
      %convert_element_type3A_140 = arith.extui %gt3A_139 : i1 to i32
      %cond3A_141 = arith.constant 0 : i32
      %cond3A_142 = arith.cmpi ne, %convert_element_type3A_140, %cond3A_141 : i32
      scf.if %cond3A_142 {
        %sub3A = arith.constant 2 : i32
        %sub3A_162 = arith.subi %add3A_117, %sub3A : i32
        %dma_wait3A_163 = arith.constant 1 : i32
        %dma_wait3A_164 = arith.constant 0 : i32
        %dma_wait3A_165 = tpu.memref_slice %arg5[%sub3A_162, %dma_wait3A_164, %mul3A_2] : memref<200x64x4096xf32, #tpu.memory_space<hbm>> -> memref<1x64x128xf32, #tpu.memory_space<hbm>>
        %dma_wait3A_166 = tpu.memref_squeeze %dma_wait3A_165 : memref<1x64x128xf32, #tpu.memory_space<hbm>> -> memref<64x128xf32, #tpu.memory_space<hbm>>
        %dma_wait3A_167 = tpu.memref_slice %arg15[%dma_wait3A_163] : memref<2x!tpu.dma_semaphore, #tpu.memory_space<semaphore_mem>> -> memref<1x!tpu.dma_semaphore, #tpu.memory_space<semaphore_mem>>
        %dma_wait3A_168 = tpu.memref_squeeze %dma_wait3A_167 : memref<1x!tpu.dma_semaphore, #tpu.memory_space<semaphore_mem>> -> memref<!tpu.dma_semaphore, #tpu.memory_space<semaphore_mem>>
        %dma_wait3A_169 = arith.constant 0 : i32
        %dma_wait3A_170 = tpu.memref_slice %arg5[%sub3A_162, %dma_wait3A_169, %mul3A_2] : memref<200x64x4096xf32, #tpu.memory_space<hbm>> -> memref<1x64x128xf32, #tpu.memory_space<hbm>>
        %dma_wait3A_171 = tpu.memref_squeeze %dma_wait3A_170 : memref<1x64x128xf32, #tpu.memory_space<hbm>> -> memref<64x128xf32, #tpu.memory_space<hbm>>
        tpu.wait_dma2 semaphore(%dma_wait3A_168 : memref<!tpu.dma_semaphore, #tpu.memory_space<semaphore_mem>>) src(%arg10 : memref<64x128xf32, #tpu.memory_space<vmem>>) dst(%dma_wait3A_171 : memref<64x128xf32, #tpu.memory_space<hbm>>)
      } else {
      }
      %scan3A_143 = arith.constant 0 : i32
      %scan3A_144 = arith.constant 4 : i32
      %scan3A_145 = arith.addi %scan3A_143, %scan3A_144 : i32
      %scan3A_146 = arith.constant 1 : i32
      scf.for %scan3A_162 = %scan3A_143 to %scan3A_145 step %scan3A_146  : i32 {
        %mul3A_163 = arith.constant 16 : i32
        %mul3A_164 = arith.muli %scan3A_162, %mul3A_163 : i32
        %add3A_165 = vector.broadcast %mul3A_164 : i32 to vector<16xi32>
        %add3A_166 = arith.addi %add3A_165, %iota3A : vector<16xi32>
        %mul3A_167 = arith.constant 16 : i32
        %mul3A_168 = arith.muli %scan3A_162, %mul3A_167 : i32
        %get3A = arith.constant 0 : i32
        %get3A_169 = arith.index_cast %get3A : i32 to index
        %get3A_170 = arith.index_cast %mul3A_168 : i32 to index
        %get3A_171 = tpu.vector_load %arg12[%get3A_169, %get3A_170] {strides = array<i32>} : memref<8x64xf32, #tpu.memory_space<vmem>>, vector<16xf32>,
        %parallel_loop3A = arith.constant 0 : i32
        %parallel_loop3A_172 = arith.constant 128 : i32
        %parallel_loop3A_173 = arith.constant 1 : i32
        scf.for %parallel_loop3A_174 = %parallel_loop3A to %parallel_loop3A_172 step %parallel_loop3A_173  : i32 {
          %parallel_loop3A_175 = vector.broadcast %parallel_loop3A_174 : i32 to vector<16xi32>
          %parallel_loop3A_176 = arith.addi %iota3A, %parallel_loop3A_175 : vector<16xi32>
          %parallel_loop3A_177 = arith.constant 15 : i32
          %parallel_loop3A_178 = vector.broadcast %parallel_loop3A_177 : i32 to vector<16xi32>
          %parallel_loop3A_179 = arith.andi %parallel_loop3A_176, %parallel_loop3A_178 : vector<16xi32>
          %parallel_loop3A_180 = arith.constant -16 : i32
          %parallel_loop3A_181 = arith.andi %parallel_loop3A_174, %parallel_loop3A_180 : i32
          %parallel_loop3A_182 = vector.broadcast %parallel_loop3A_181 : i32 to vector<16xi32>
          %parallel_loop3A_183 = arith.addi %parallel_loop3A_179, %parallel_loop3A_182 : vector<16xi32>
          %parallel_loop3A_184 = tpu.vector_load_idx %arg8[%parallel_loop3A_183, %add3A_166] : memref<128x128xf32, #tpu.memory_space<vmem>>[vector<16xi32>, vector<16xi32>], vector<16xf32>,
          %parallel_loop3A_185 = arith.addf %parallel_loop3A_184, %get3A_171 : vector<16xf32>
          tpu.vector_store_idx %arg10[%add3A_166, %parallel_loop3A_183], %parallel_loop3A_185 : memref<64x128xf32, #tpu.memory_space<vmem>>[vector<16xi32>, vector<16xi32>], vector<16xf32>,
        } {sc.loop_unroll_factor = 8 : i64, sc.parallel_access}
      }
      %scan3A_147 = arith.constant 4 : i32
      %dma_start3A_148 = arith.constant 1 : i32
      %dma_start3A_149 = arith.constant 0 : i32
      %dma_start3A_150 = tpu.memref_slice %arg5[%add3A_117, %dma_start3A_149, %mul3A_2] : memref<200x64x4096xf32, #tpu.memory_space<hbm>> -> memref<1x64x128xf32, #tpu.memory_space<hbm>>
      %dma_start3A_151 = tpu.memref_squeeze %dma_start3A_150 : memref<1x64x128xf32, #tpu.memory_space<hbm>> -> memref<64x128xf32, #tpu.memory_space<hbm>>
      %dma_start3A_152 = tpu.memref_slice %arg15[%dma_start3A_148] : memref<2x!tpu.dma_semaphore, #tpu.memory_space<semaphore_mem>> -> memref<1x!tpu.dma_semaphore, #tpu.memory_space<semaphore_mem>>
      %dma_start3A_153 = tpu.memref_squeeze %dma_start3A_152 : memref<1x!tpu.dma_semaphore, #tpu.memory_space<semaphore_mem>> -> memref<!tpu.dma_semaphore, #tpu.memory_space<semaphore_mem>>
      %dma_start3A_154 = arith.constant 0 : i32
      %dma_start3A_155 = tpu.memref_slice %arg5[%add3A_117, %dma_start3A_154, %mul3A_2] : memref<200x64x4096xf32, #tpu.memory_space<hbm>> -> memref<1x64x128xf32, #tpu.memory_space<hbm>>
      %dma_start3A_156 = tpu.memref_squeeze %dma_start3A_155 : memref<1x64x128xf32, #tpu.memory_space<hbm>> -> memref<64x128xf32, #tpu.memory_space<hbm>>
      tpu.enqueue_dma source(%arg10 : memref<64x128xf32, #tpu.memory_space<vmem>>) target(%dma_start3A_156 : memref<64x128xf32, #tpu.memory_space<hbm>>) target_semaphore(%dma_start3A_153 : memref<!tpu.dma_semaphore, #tpu.memory_space<semaphore_mem>>)
      %lt3A_157 = arith.constant 99 : i32
      %lt3A_158 = arith.cmpi slt, %scan3A_69, %lt3A_157 : i32
      %convert_element_type3A_159 = arith.extui %lt3A_158 : i1 to i32
      %cond3A_160 = arith.constant 0 : i32
      %cond3A_161 = arith.cmpi ne, %convert_element_type3A_159, %cond3A_160 : i32
      scf.if %cond3A_161 {
        %add3A_162 = arith.constant 2 : i32
        %add3A_163 = arith.addi %add3A_117, %add3A_162 : i32
        %dma_start3A_164 = arith.constant 1 : i32
        %dma_start3A_165 = arith.constant 0 : i32
        %dma_start3A_166 = tpu.memref_slice %arg6[%add3A_163, %dma_start3A_165] : memref<200x128xi32, #tpu.memory_space<vmem>> -> memref<1x128xi32, #tpu.memory_space<vmem>>
        %dma_start3A_167 = tpu.memref_squeeze %dma_start3A_166 : memref<1x128xi32, #tpu.memory_space<vmem>> -> memref<128xi32, #tpu.memory_space<vmem>>
        %dma_start3A_168 = arith.constant 0 : i32
        %dma_start3A_169 = arith.constant 0 : i32
        %dma_start3A_170 = tpu.memref_slice %arg3[%dma_start3A_168, %dma_start3A_169] : memref<1000000x128xf32, #tpu.memory_space<hbm>> -> memref<1000000x128xf32, #tpu.memory_space<hbm>>
        %dma_start3A_171 = tpu.memref_slice %arg13[%dma_start3A_164] : memref<2x!tpu.dma_semaphore, #tpu.memory_space<semaphore_mem>> -> memref<1x!tpu.dma_semaphore, #tpu.memory_space<semaphore_mem>>
        %dma_start3A_172 = tpu.memref_squeeze %dma_start3A_171 : memref<1x!tpu.dma_semaphore, #tpu.memory_space<semaphore_mem>> -> memref<!tpu.dma_semaphore, #tpu.memory_space<semaphore_mem>>
        tpu.enqueue_indirect_dma source(%dma_start3A_170 : memref<1000000x128xf32, #tpu.memory_space<hbm>>) target(%arg8 : memref<128x128xf32, #tpu.memory_space<vmem>>) offsets(%dma_start3A_167 : memref<128xi32, #tpu.memory_space<vmem>>) semaphore(%dma_start3A_172 : memref<!tpu.dma_semaphore, #tpu.memory_space<semaphore_mem>>)
        %add3A_173 = arith.constant 2 : i32
        %add3A_174 = arith.addi %add3A_117, %add3A_173 : i32
        %dma_start3A_175 = arith.constant 1 : i32
        %dma_start3A_176 = arith.constant 0 : i32
        %dma_start3A_177 = arith.constant 0 : i32
        %dma_start3A_178 = tpu.memref_slice %arg4[%add3A_174, %dma_start3A_176, %dma_start3A_177] : memref<200x8x64xf32, #tpu.memory_space<hbm>> -> memref<1x8x64xf32, #tpu.memory_space<hbm>>
        %dma_start3A_179 = tpu.memref_squeeze %dma_start3A_178 : memref<1x8x64xf32, #tpu.memory_space<hbm>> -> memref<8x64xf32, #tpu.memory_space<hbm>>
        %dma_start3A_180 = tpu.memref_slice %arg14[%dma_start3A_175] : memref<2x!tpu.dma_semaphore, #tpu.memory_space<semaphore_mem>> -> memref<1x!tpu.dma_semaphore, #tpu.memory_space<semaphore_mem>>
        %dma_start3A_181 = tpu.memref_squeeze %dma_start3A_180 : memref<1x!tpu.dma_semaphore, #tpu.memory_space<semaphore_mem>> -> memref<!tpu.dma_semaphore, #tpu.memory_space<semaphore_mem>>
        %dma_start3A_182 = arith.constant 0 : i32
        %dma_start3A_183 = arith.constant 0 : i32
        %dma_start3A_184 = tpu.memref_slice %arg4[%add3A_174, %dma_start3A_182, %dma_start3A_183] : memref<200x8x64xf32, #tpu.memory_space<hbm>> -> memref<1x8x64xf32, #tpu.memory_space<hbm>>
        %dma_start3A_185 = tpu.memref_squeeze %dma_start3A_184 : memref<1x8x64xf32, #tpu.memory_space<hbm>> -> memref<8x64xf32, #tpu.memory_space<hbm>>
        tpu.enqueue_dma source(%dma_start3A_185 : memref<8x64xf32, #tpu.memory_space<hbm>>) target(%arg12 : memref<8x64xf32, #tpu.memory_space<vmem>>) target_semaphore(%dma_start3A_181 : memref<!tpu.dma_semaphore, #tpu.memory_space<semaphore_mem>>)
      } else {
      }
    }
    %scan3A_49 = arith.constant 100 : i32
    %dma_wait3A = arith.constant 198 : i32
    %dma_wait3A_50 = arith.constant 0 : i32
    %dma_wait3A_51 = arith.constant 0 : i32
    %dma_wait3A_52 = tpu.memref_slice %arg5[%dma_wait3A, %dma_wait3A_51, %mul3A_2] : memref<200x64x4096xf32, #tpu.memory_space<hbm>> -> memref<1x64x128xf32, #tpu.memory_space<hbm>>
    %dma_wait3A_53 = tpu.memref_squeeze %dma_wait3A_52 : memref<1x64x128xf32, #tpu.memory_space<hbm>> -> memref<64x128xf32, #tpu.memory_space<hbm>>
    %dma_wait3A_54 = tpu.memref_slice %arg15[%dma_wait3A_50] : memref<2x!tpu.dma_semaphore, #tpu.memory_space<semaphore_mem>> -> memref<1x!tpu.dma_semaphore, #tpu.memory_space<semaphore_mem>>
    %dma_wait3A_55 = tpu.memref_squeeze %dma_wait3A_54 : memref<1x!tpu.dma_semaphore, #tpu.memory_space<semaphore_mem>> -> memref<!tpu.dma_semaphore, #tpu.memory_space<semaphore_mem>>
    %dma_wait3A_56 = arith.constant 0 : i32
    %dma_wait3A_57 = tpu.memref_slice %arg5[%dma_wait3A, %dma_wait3A_56, %mul3A_2] : memref<200x64x4096xf32, #tpu.memory_space<hbm>> -> memref<1x64x128xf32, #tpu.memory_space<hbm>>
    %dma_wait3A_58 = tpu.memref_squeeze %dma_wait3A_57 : memref<1x64x128xf32, #tpu.memory_space<hbm>> -> memref<64x128xf32, #tpu.memory_space<hbm>>
    tpu.wait_dma2 semaphore(%dma_wait3A_55 : memref<!tpu.dma_semaphore, #tpu.memory_space<semaphore_mem>>) src(%arg9 : memref<64x128xf32, #tpu.memory_space<vmem>>) dst(%dma_wait3A_58 : memref<64x128xf32, #tpu.memory_space<hbm>>)
    %dma_wait3A_59 = arith.constant 199 : i32
    %dma_wait3A_60 = arith.constant 1 : i32
    %dma_wait3A_61 = arith.constant 0 : i32
    %dma_wait3A_62 = tpu.memref_slice %arg5[%dma_wait3A_59, %dma_wait3A_61, %mul3A_2] : memref<200x64x4096xf32, #tpu.memory_space<hbm>> -> memref<1x64x128xf32, #tpu.memory_space<hbm>>
    %dma_wait3A_63 = tpu.memref_squeeze %dma_wait3A_62 : memref<1x64x128xf32, #tpu.memory_space<hbm>> -> memref<64x128xf32, #tpu.memory_space<hbm>>
    %dma_wait3A_64 = tpu.memref_slice %arg15[%dma_wait3A_60] : memref<2x!tpu.dma_semaphore, #tpu.memory_space<semaphore_mem>> -> memref<1x!tpu.dma_semaphore, #tpu.memory_space<semaphore_mem>>
    %dma_wait3A_65 = tpu.memref_squeeze %dma_wait3A_64 : memref<1x!tpu.dma_semaphore, #tpu.memory_space<semaphore_mem>> -> memref<!tpu.dma_semaphore, #tpu.memory_space<semaphore_mem>>
    %dma_wait3A_66 = arith.constant 0 : i32
    %dma_wait3A_67 = tpu.memref_slice %arg5[%dma_wait3A_59, %dma_wait3A_66, %mul3A_2] : memref<200x64x4096xf32, #tpu.memory_space<hbm>> -> memref<1x64x128xf32, #tpu.memory_space<hbm>>
    %dma_wait3A_68 = tpu.memref_squeeze %dma_wait3A_67 : memref<1x64x128xf32, #tpu.memory_space<hbm>> -> memref<64x128xf32, #tpu.memory_space<hbm>>
    tpu.wait_dma2 semaphore(%dma_wait3A_65 : memref<!tpu.dma_semaphore, #tpu.memory_space<semaphore_mem>>) src(%arg10 : memref<64x128xf32, #tpu.memory_space<vmem>>) dst(%dma_wait3A_68 : memref<64x128xf32, #tpu.memory_space<hbm>>)
    return
  }
}

</mosaic_0001>

<sc_bundles>
// kernel: kernel.3.cloned.1.call-start
scs
__scs_entry_jumppad:
0x0: {  	(pc) =	sbr.rel $0x88, $3  }
0x1: {  	(tag) =	ssettag $0x0;
	lr =	simm.s32 $0x1  }
0x2: {  	[smem:$0x3F9E] =	sst lr;
	_ =	strace $0xD0000000  }
0x3: {  	_ = 	snop  }
0x4: {  	_ = 	snop  }
0x5: {  	_ = 	snop  }
0x6: {  	_ = 	snop  }
0x7: {  	_ = 	snop  }
__scs_overlays_trampoline_lowered:
0x8: {  	[smem:$0x3FAD] =	sst s0  }
0x9: {  	[smem:$0x3FAE] =	sst s1  }
0xa: {  	[smem:$0x3FAF] =	sst s2  }
0xb: {  	[smem:$0x3FB0] =	sst s3  }
0xc: {  	[smem:$0x3FB1] =	sst s4  }
0xd: {  	[smem:$0x3FB2] =	sst s5  }
0xe: {  	[smem:$0x3FB3] =	sst s6  }
0xf: {  	[smem:$0x3FB4] =	sst s7  }
0x10: {  	[smem:$0x3FB5] =	sst s8  }
0x11: {  	[smem:$0x3FB6] =	sst s9;
	s0 =	simm.s32 @!p0 $0x0  }
0x12: {  	s1 =	sld [smem:$0x3F9C];
	s0 =	simm.s32 @p0 $0x1  }
0x13: {  	[smem:$0x3FB7] =	sst s0;
	s0 =	simm.s32 @!p1 $0x0  }
0x14: {  	s2 =	sld [smem:$0x3F9B];
	s0 =	simm.s32 @p1 $0x1  }
0x15: {  	[smem:$0x3FB8] =	sst s0;
	s0 =	simm.s32 @!p2 $0x0  }
0x16: {  	s3 =	sld [smem:$0x3FDB];
	s0 =	simm.s32 @p2 $0x1  }
0x17: {  	s4 =	simm.s32 $0x1BF5;
	[smem:$0x3FBA] =	sst s0  }
0x18: {  	s0 =	sld [smem:$0x3F9D];
	_ =	swait.ge [sflag:s4], $0x0  }
0x19: {  	s7 =	sld [smem:$0x3F9E]  }
0x1a: {  	s8 =	sadd.s32 $0xFFFFE003, lr  }
0x1b: {  	s9 =	sadd.s32 $0xFFFFFEF7, lr;
	s5 =	simm.s32 $0xFFFFFFFF;
	p2 =	slt.u32 s8, $0xFFFFF086  }
0x1c: {  	p1 =	slt.u32 s9, $0xF7A;
	s5 =	simm.s32 @!p2 $0x0  }
0x1d: {  	s5 =	simm.s32 @p1 $0x1;
	p0 =	seq.s32 s7, s2  }
0x1e: {  	s7 =	smul.u32 @!p0 $0xF7A, s2;
	p2 =	seq.s32 @!p0 s5, $0x0  }
0x1f: {  	s9 =	smul.u32 $0xF7A, s1;
	s8 =	simm.s32 @!p0 $0x1BF5;
	p2 =	por !p2, p0  }
0x20: {  	[sflag:s8] =	ssyncset.s32 @!p0 $0xFFFFF086;
	s6 =	sadd.s32 @!p0 s3, s7;
	s7 =	simm.s32 @!p0 $0x108  }
0x21: {  	s3 =	sadd.s32 s3, s9;
	s6 =	sadd.s32 @!p0 $0x88, s6;
	s7 =	simm.s32 @p2 $0x1082  }
0x22: {  	[simem:s7], [sflag:s8] =	dma.local @!p0 [hbm:s6], $0xF7A  }
0x23: {  	s9 =	sor.u32 $0xD0000000, s2;
	s6 =	simm.s32 $0x108;
	_ =	swait.ge @!p0 [sflag:s8], $0x0  }
0x24: {  	s3 =	sadd.s32 $0x88, s3;
	s6 =	simm.s32 @!p1 $0x1082;
	[sflag:s4] =	ssyncset.s32 $0xFFFFF086  }
0x25: {  	[simem:s6], [sflag:s4] =	dma.local [hbm:s3], $0xF7A  }
0x26: {  	[smem:$0x3F9E] =	sst s1;
	(tag) =	ssettag s2;
	_ =	strace s9  }
0x27: {  	s1 =	sld [smem:$0x3FAE]  }
0x28: {  	s2 =	sld [smem:$0x3FAF]  }
0x29: {  	s4 =	sld [smem:$0x3FB1]  }
0x2a: {  	p0 =	seq.s32 s5, $0x0;
	s5 =	sld [smem:$0x3FB2]  }
0x2b: {  	s6 =	sld [smem:$0x3FB3]  }
0x2c: {  	s7 =	sld [smem:$0x3FB4]  }
0x2d: {  	s3 =	simm.s32 $0x108;
	s8 =	sld [smem:$0x3FB5]  }
0x2e: {  	s3 =	simm.s32 @!p0 $0x1082;
	s9 =	sld [smem:$0x3FB6]  }
0x2f: {  	lr =	sadd.s32 s0, s3;
	s0 =	sld [smem:$0x3FAD]  }
0x30: {  	s3 =	sld [smem:$0x3FB0]  }
0x31: {  	[smem:$0x3FB9] =	sst s10  }
0x32: {  	s10 =	sld [smem:$0x3FB7];
	_ =	sdelay $0x3  }
0x33: {  	p0 =	seq.s32 s10, $0x1;
	s10 =	sld [smem:$0x3FB9];
	_ =	sdelay $0x3  }
0x34: {  	[smem:$0x3FB9] =	sst s10  }
0x35: {  	s10 =	sld [smem:$0x3FB8];
	_ =	sdelay $0x3  }
0x36: {  	p1 =	seq.s32 s10, $0x1;
	s10 =	sld [smem:$0x3FB9];
	_ =	sdelay $0x3  }
0x37: {  	[smem:$0x3FB9] =	sst s10  }
0x38: {  	s10 =	sld [smem:$0x3FBA]  }
0x39: {  	_ = 	snop;
	(pc) =	sbr.ind lr, $3  }
0x3a: {  	_ = 	snop  }
0x3b: {  	_ = 	snop  }
0x3c: {  	p2 =	seq.s32 s10, $0x1;
	s10 =	sld [smem:$0x3FB9]  }
0x3d: {  	_ =	shalt  }
0x3e: {  	_ =	shalt  }
0x3f: {  	_ =	shalt  }
0x40: {  	_ =	shalt  }
0x41: {  	_ =	shalt  }
0x42: {  	_ =	shalt  }
0x43: {  	_ =	shalt  }
0x44: {  	_ =	shalt  }
0x45: {  	_ =	shalt  }
0x46: {  	_ =	shalt  }
0x47: {  	_ =	shalt  }
0x48: {  	_ =	shalt  }
0x49: {  	_ =	shalt  }
0x4a: {  	_ =	shalt  }
0x4b: {  	_ =	shalt  }
0x4c: {  	_ =	shalt  }
0x4d: {  	_ =	shalt  }
0x4e: {  	_ =	shalt  }
0x4f: {  	_ =	shalt  }
0x50: {  	_ =	shalt  }
0x51: {  	_ =	shalt  }
0x52: {  	_ =	shalt  }
0x53: {  	_ =	shalt  }
0x54: {  	_ =	shalt  }
0x55: {  	_ =	shalt  }
0x56: {  	_ =	shalt  }
0x57: {  	_ =	shalt  }
0x58: {  	_ =	shalt  }
0x59: {  	_ =	shalt  }
0x5a: {  	_ =	shalt  }
0x5b: {  	_ =	shalt  }
0x5c: {  	_ =	shalt  }
0x5d: {  	_ =	shalt  }
0x5e: {  	_ =	shalt  }
0x5f: {  	_ =	shalt  }
0x60: {  	_ =	shalt  }
0x61: {  	_ =	shalt  }
0x62: {  	_ =	shalt  }
0x63: {  	_ =	shalt  }
0x64: {  	_ =	shalt  }
0x65: {  	_ =	shalt  }
0x66: {  	_ =	shalt  }
0x67: {  	_ =	shalt  }
0x68: {  	_ =	shalt  }
0x69: {  	_ =	shalt  }
0x6a: {  	_ =	shalt  }
0x6b: {  	_ =	shalt  }
0x6c: {  	_ =	shalt  }
0x6d: {  	_ =	shalt  }
0x6e: {  	_ =	shalt  }
0x6f: {  	_ =	shalt  }
0x70: {  	_ =	shalt  }
0x71: {  	_ =	shalt  }
0x72: {  	_ =	shalt  }
0x73: {  	_ =	shalt  }
0x74: {  	_ =	shalt  }
0x75: {  	_ =	shalt  }
0x76: {  	_ =	shalt  }
0x77: {  	_ =	shalt  }
0x78: {  	_ =	shalt  }
0x79: {  	_ =	shalt  }
0x7a: {  	_ =	shalt  }
0x7b: {  	_ =	shalt  }
0x7c: {  	_ =	shalt  }
0x7d: {  	_ =	shalt  }
0x7e: {  	_ =	shalt  }
0x7f: {  	_ =	shalt  }
0x80: {  	_ =	shalt  }
0x81: {  	_ =	shalt  }
0x82: {  	_ =	shalt  }
0x83: {  	_ =	shalt  }
0x84: {  	_ =	shalt  }
0x85: {  	_ =	shalt  }
0x86: {  	_ =	shalt  }
0x87: {  	_ =	shalt  }
.Lfunc_end0:
.L_simem_size_0:
called_computation_lowered:
.L_overlay_start_0:
0x88: {  	s2 =	sld [smem:$0x3FD9]  }
0x89: {  	s3 =	sld [smem:$0x3FFE];
	_ =	sdelay $0x1  }
0x8a: {  	s1 =	srdreg.scid  }
0x8b: {  	s0 =	sand.u32 $0x1, s1  }
0x8c: {  	s17 =	sshll.u32 s0, $0xA;
	s2 =	sadd.s32 s3, s2  }
0x8d: {  	s2 =	sadd.s32 s2, s17  }
0x8e: {  	[smem:$0x3FC5] =	sst s2  }
0x8f: {  	_ = 	snop  }
0x90: {  	s2 =	sld [smem:$0x3FC9]  }
0x91: {  	s18 =	sld [smem:$0x3FD0];
	(tm) =	ssettm $0x1  }
0x92: {  	s4 =	sld [smem:$0x3FFB];
	_ =	sdelay $0x3  }
0x93: {  	_ =	strace s4  }
0x94: {  	s4 =	sld [smem:$0x3FFC];
	_ =	sdelay $0x3  }
0x95: {  	_ =	strace s4  }
0x96: {  	s4 =	sld [smem:$0x3FFD];
	_ =	sdelay $0x3  }
0x97: {  	_ =	strace s4  }
0x98: {  	_ =	strace $0x8FFFFFFF  }
0x99: {  	s19 =	sld [smem:$0x3FDB];
	_ =	sdelay $0x1  }
0x9a: {  	s5 =	simm.s32 $_scs_section_size  }
0x9b: {  	s6 =	simm.s32 $_size__tile_overlayer_lowered;
	s7 =	simm.s32 $_tile_overlayer_lowered  }
0x9c: {  	s22 =	simm.s32 $0x1BFF;
	s21 =	sshll.u32 s7, $0x1;
	s4 =	sadd.s32 s5, s19  }
0x9d: {  	s8 =	simm.s32 $0x0;
	s20 =	sshll.u32 s6, $0x1;
	s6 =	sadd.s32 s21, s4  }
0x9e: {  	[timem:s8], [sflag:s22] =	dma.local [hbm:s6], s20  }
0x9f: {  	_ =	swait.ge [sflag:s22], s20  }
0xa0: {  	s5 =	ssub.s32 $0x0, s20;
	[sflag:s22] =	ssyncset.done $0x0  }
0xa1: {  	[sflag:s22] =	ssyncadd.s32 s5;
	_ =	sdelay $0x1  }
0xa2: {  	s23 =	simm.s32 $0x1B8B  }
0xa3: {  	_ =	swait.ge [sflag:s23], $0x1  }
0xa4: {  	[sflag:s23] =	ssyncset.done $0x0  }
0xa5: {  	s25 =	simm.s32 $0x1B8E;
	s24 =	sld [smem:$0x3FFE];
	[sflag:s23] =	ssyncadd.s32 $0xFFFFFFFF  }
0xa6: {  	s26 =	simm.s32 $execute0_lowered;
	[smem:$0x3FD2] =	sst s25  }
0xa7: {  	s6 =	sshll.u32 s26, $0x1;
	_ =	strace $0x80000046;
	[dreg:$0x1] =	wrdreg $0xFFFFFFFF  }
0xa8: {  	s28 =	simm.s32 $_size_execute0_lowered;
	s4 =	sadd.s32 s4, s6;
	[dreg:$0x0] =	wrdreg $0x0  }
0xa9: {  	s6 =	sshll.u32 s28, $0x1;
	[dreg:$0x2] =	wrdreg s4  }
0xaa: {  	[dreg:$0x3] =	wrdreg s6  }
0xab: {  	[dreg:$0x4] =	wrdreg $0xC0  }
0xac: {  	_ =	task [dreg:s8], $0x5FFFF  }
0xad: {  	[dreg:$0x1] =	wrdreg $0xFFFFFFFF  }
0xae: {  	[dreg:$0x0] =	wrdreg $0x60  }
0xaf: {  	[dreg:$0x2] =	wrdreg s2  }
0xb0: {  	[dreg:$0x3] =	wrdreg s24  }
0xb1: {  	[dreg:$0x4] =	wrdreg s18  }
0xb2: {  	[dreg:$0x5] =	wrdreg $0x9  }
0xb3: {  	_ =	task.clear_ibuf [dreg:s8], $0x6FFFF;
	_ =	strace $0x90000046  }
0xb4: {  	s29 =	simm.s32 $0x9;
	_ =	strace $0x80000048  }
0xb5: {  	_ =	swait.ge [sflag:s29], $0x1  }
0xb6: {  	[sflag:s29] =	ssyncadd.s32 $0xFFFFFFFF  }
0xb7: {  	_ =	strace $0x90000048  }
0xb8: {  	_ =	sfence  }
0xb9: {  	s30 =	sld [smem:$0x0];
	_ =	sdelay $0x2  }
0xba: {  	s31 =	sshll.u32 s1, $0xD;
	s1 =	sshrl.u32 s1, $0x2  }
0xbb: {  	s3 =	sand.u32 $0x4000, s31;
	s1 =	sadd.s32 s1, s30  }
0xbc: {  	s0 =	sor.u32 s3, s0;
	s1 =	sshll.u32 s1, $0x11  }
0xbd: {  	s0 =	sor.u32 s1, s0  }
0xbe: {  	s0 =	sadd.s32 $0x8F2B, s0  }
0xbf: {  	[sflag:s0] =	ssyncadd.remote.s32 $0x1  }
0xc0: {  	_ =	sfence.sel $0xFFFF  }
0xc1: {  	[dreg:$0x0] =	wrdreg $0xFFFFFFFF;
	(pc) =	sbr.abs _section_cstart, $3  }
0xc2: {  	[dreg:$0x1] =	wrdreg $0xFFFFFFFF  }
0xc3: {  	_ =	task.clear_ibuf [dreg:s8], $0x2FFFF;
	_ =	strace $0x9FFFFFFF  }
0xc4: {  	(tm) =	ssettm $0x7FFFFFFF  }
0xc5: {  	_ =	shalt  }
tec
execute0_lowered:
.L_overlay_start_1:
0x0: {  	(tag) =	ssettag $0x1  }
0x1: {  	s0 =	rddreg [dreg:$0x0]  }
0x2: {  	s2 =	rddreg [dreg:$0x1]  }
0x3: {  	s1 =	rddreg [dreg:$0x2]  }
0x4: {  	s3 =	simm.s32 $0x0;
	s4 =	srdreg.scid;
	s5 =	stileid.u32  }
0x5: {  	s11 =	simm.s32 $0x400;
	s12 =	simm.s32 $0x8000;
	s13 =	simm.s32 $0x7  }
0x6: {  	s14 =	simm.s32 $0x80;
	s15 =	simm.s32 $0x6400;
	s17 =	simm.s32 $0xA400  }
0x7: {  	s18 =	simm.s32 $0x12800;
	s19 =	simm.s32 $0x1;
	s20 =	simm.s32 $0x3  }
0x8: {  	s21 =	simm.s32 $0xE400;
	s22 =	simm.s32 $0x2;
	s23 =	simm.s32 $0x4  }
0x9: {  	s24 =	simm.s32 $0x10400;
	s25 =	simm.s32 $0x5;
	s26 =	simm.s32 $0x6  }
0xa: {  	s28 =	simm.s32 $0x0;
	[smem:$0x7FF] =	sst s3;
	s4 =	sand.u32 $0x1, s4  }
0xb: {  	s5 =	sshll.u32 s5, $0xB;
	s30 =	sadd.s32 $0x880, s2;
	s6 =	sshll.u32 s4, $0xA  }
.Ltmp0:
0xc: {  	s7 =	ssub.s32 $0x2, s4;
	s5 =	sor.u32 s6, s5;
	(pc) =	sbr.rel .LBB2_1-.Ltmp0, $4  }
0xd: {  	_ =	strace $0x80000047;
	s8 =	sshrl.u32 s7, $0x1;
	s29 =	sshrl.u32 s5, $0x3  }
0xe: {  	[dreg:$0x5] =	wrdreg s30;
	s7 =	ssub.s32 s7, s8;
	s0 =	sadd.s32 s0, s29  }
0xf: {  	s9 =	sadd.s32 $0x8000, s1;
	s31 =	smax.u32 s7, $0x1;
	[dreg:$0x4] =	wrdreg s0  }
0x10: {  	v0 =	vlaneseq.u32;
	s4 =	sadd.s32 $0xF42C00, s2;
	s6 =	sadd.s32 $0x800, s2;
	[dreg:$0x6] =	wrdreg s31  }
.LBB2_12:
0x11: {  	_ =	swait.ge [sflag:s25], $0x2000  }
0x12: {  	[sflag:s25] =	ssyncset.done $0x0  }
0x13: {  	[sflag:s25] =	ssyncadd.s32 $0xFFFFE000  }
0x14: {  	_ =	swait.ge [sflag:s26], $0x2000  }
0x15: {  	s28 =	sadd.s32 $0x1, s28;
	s0 =	rddreg [dreg:$0x6]  }
0x16: {  	p0 =	sne.s32 s28, s0  }
.Ltmp1:
0x17: {  	_ = 	snop;
	(pc) =	sbr.rel @!p0 .LBB2_13-.Ltmp1, $3  }
0x18: {  	_ =	sdelay $0x1  }
0x19: {  	[sflag:s26] =	ssyncset.done $0x0  }
0x1a: {  	[sflag:s26] =	ssyncadd.s32 $0xFFFFE000  }
.LBB2_1:
0x1b: {  	s0 =	rddreg [dreg:$0x4]  }
0x1c: {  	[tilespmem:s3], [sflag:$0x7] =	stream.strided.gather [hbm4b:s0+s11], $0x6400, s12, s11, $0x38;
	[tilespmem:$0x12C00] =	vst v63  }
0x1d: {  	_ =	swait.ge [sflag:s13], $0x6400  }
0x1e: {  	[sflag:s13] =	ssyncset.done $0x0  }
0x1f: {  	[sflag:s13] =	ssyncadd.s32 $0xFFFF9C00  }
0x20: {  	[tilespmem:s15], [sflag:$0x1] =	stream.indirect.gather [hbm4b:s4+s14], $0x80, s3, s14, $0xb8;
	[tilespmem:$0x12C00] =	vst v63  }
0x21: {  	s30 =	simm.s32 $0x12400  }
0x22: {  	[tilespmem:s30], [sflag:$0x3] =	stream.linear.gather [hbm4b:s6+s3], $0x400, $0x38;
	[tilespmem:$0x12C00] =	vst v63  }
0x23: {  	_ = 	snop  }
0x24: {  	[tilespmem:s17], [sflag:$0x2] =	stream.indirect.gather [hbm4b:s4+s14], $0x80, s14, s14, $0xb8;
	[tilespmem:$0x12C00] =	vst v63  }
0x25: {  	s29 =	simm.s32 $0x0;
	s31 =	rddreg [dreg:$0x5]  }
0x26: {  	[tilespmem:s18], [sflag:$0x4] =	stream.linear.gather [hbm4b:s31+s3], $0x400, $0x38;
	[tilespmem:$0x12C00] =	vst v63  }
.LBB2_2:
0x27: {  	_ =	swait.ge [sflag:s19], $0x4000  }
0x28: {  	[sflag:s19] =	ssyncset.done $0x0  }
0x29: {  	[sflag:s19] =	ssyncadd.s32 $0xFFFFC000  }
0x2a: {  	_ =	swait.ge [sflag:s20], $0x400  }
0x2b: {  	p0 =	seq.s32 s29, $0x0;
	[sflag:s20] =	ssyncset.done $0x0  }
0x2c: {  	s0 =	simm.s32 @!p0 $0x5;
	[sflag:s20] =	ssyncadd.s32 $0xFFFFFC00  }
0x2d: {  	_ =	swait.ge @!p0 [sflag:s0], $0x2000  }
0x2e: {  	s30 =	sshll.u32 s29, $0x1;
	[sflag:s0] =	ssyncset.done @!p0 $0x0  }
0x2f: {  	s31 =	simm.s32 $0x0;
	[sflag:s0] =	ssyncadd.s32 @!p0 $0xFFFFE000;
	s0 =	simm.s32 $0x0  }
.LBB2_3:
0x30: {  	s2 =	sshll.u32 s0, $0x4;
	s7 =	simm.s32 $0x1;
	v3 =	vadd.s32 s31, v0;
	s16 =	simm.s32 $0x2  }
0x31: {  	s8 =	simm.s32 $0x3;
	s10 =	simm.s32 $0x4;
	v2 =	vor.u32 s2, v0;
	v4 =	vadd.s32 s7, v0;
	v5 =	vadd.s32 s16, v0  }
0x32: {  	v6 =	vadd.s32 s8, v0;
	s16 =	simm.s32 $0x5;
	v3 =	vand.u32 $0xF, v3;
	v7 =	vadd.s32 s10, v0  }
0x33: {  	s8 =	simm.s32 $0x6;
	s10 =	simm.s32 $0x7;
	v1 =	vshll.u32 v2, $0x7;
	v8 =	vadd.s32 s16, v0;
	v4 =	vand.u32 $0xF, v4  }
0x34: {  	v5 =	vand.u32 $0xF, v5;
	v9 =	vadd.s32 s8, v0;
	v10 =	vadd.s32 s10, v0  }
0x35: {  	v6 =	vand.u32 $0xF, v6;
	v7 =	vand.u32 $0xF, v7;
	s16 =	sand.u32 $0x70, s31;
	v10 =	vand.u32 $0xF, v10  }
0x36: {  	v8 =	vand.u32 $0xF, v8;
	v9 =	vand.u32 $0xF, v9;
	v4 =	vor.u32 s16, v4  }
0x37: {  	v5 =	vor.u32 s16, v5;
	v6 =	vor.u32 s16, v6;
	v11 =	vor.u32 s16, v10  }
0x38: {  	v12 =	vor.u32 s16, v7;
	v15 =	vor.u32 s16, v3;
	v10 =	vshll.u32 v11, $0x7  }
0x39: {  	v13 =	vor.u32 s16, v8;
	v8 =	vshll.u32 v4, $0x7;
	v7 =	vadd.s32 v2, v10  }
0x3a: {  	v14 =	vor.u32 s16, v9;
	v3 =	vshll.u32 v5, $0x7;
	v8 =	vadd.s32 v2, v8  }
0x3b: {  	v9 =	vshll.u32 v6, $0x7;
	v18 =	vshll.u32 v15, $0x7;
	v16 =	vadd.s32 v2, v3  }
0x3c: {  	v17 =	vshll.u32 v13, $0x7;
	v19 =	vadd.s32 v2, v9;
	v9 =	vshll.u32 v14, $0x7  }
0x3d: {  	s16 =	simm.s32 $0xB;
	v3 =	vld [tilespmem:s2+$0x12400];
	v23 =	vadd.s32 v2, v18;
	v10 =	vshll.u32 v12, $0x7;
	v21 =	vadd.s32 v2, v17  }
0x3e: {  	v27 =	vor.u32 v1, v11;
	v28 =	vadd.s32 s16, v0;
	v20 =	vadd.s32 v2, v10;
	v18 =	vld.idx.msk [tilespmem:v7+s15+$0x0], $0xffff  }
0x3f: {  	s10 =	simm.s32 $0xA;
	s16 =	simm.s32 $0xE;
	v25 =	vadd.s32 v2, v9;
	v9 =	vor.u32 v1, v5;
	v5 =	vor.u32 v1, v14;
	v26 =	vld.idx.msk [tilespmem:v8+s15+$0x0], $0xffff  }
0x40: {  	s2 =	simm.s32 $0x8;
	v14 =	vadd.s32 s10, v0;
	s10 =	simm.s32 $0xD;
	v24 =	vadd.s32 s16, v0;
	v10 =	vor.u32 v1, v4;
	v16 =	vld.idx.msk [tilespmem:v16+s15+$0x0], $0xffff  }
0x41: {  	v4 =	vor.u32 v1, v12;
	v12 =	vadd.s32 s2, v0;
	v22 =	vadd.s32 s10, v0;
	v17 =	vld.idx.msk [tilespmem:v19+s15+$0x0], $0xffff  }
0x42: {  	s8 =	simm.s32 $0x9;
	v8 =	vor.u32 v1, v15;
	v15 =	vand.u32 $0xF, v12;
	v7 =	vor.u32 v1, v6;
	v12 =	vld.idx.msk [tilespmem:v21+s15+$0x0], $0xffff  }
0x43: {  	v6 =	vor.u32 v1, v13;
	v13 =	vadd.s32 s8, v0;
	s8 =	simm.s32 $0xC;
	v11 =	vld.idx.msk [tilespmem:v20+s15+$0x0], $0xffff;
	v20 =	vadd.f32 v18, v3  }
0x44: {  	v21 =	vand.u32 $0xF, v28;
	v29 =	vadd.s32 s8, v0;
	v19 =	vand.u32 $0xF, v13;
	v13 =	vld.idx.msk [tilespmem:v25+s15+$0x0], $0xffff  }
0x45: {  	s7 =	simm.s32 $0xF;
	s16 =	simm.s32 $0x10;
	v18 =	vand.u32 $0xF, v14;
	v14 =	vld.idx.msk [tilespmem:v23+s15+$0x0], $0xffff;
	v23 =	vadd.f32 v26, v3;
	[tilespmem:v27+s21+$0x0] =	vst.idx.msk $0xffff, v20;
	v20 =	vand.u32 $0xF, v29  }
.LBB2_4:
0x46: {  	p1 =	slt.u32 s16, $0x78;
	v22 =	vand.u32 $0xF, v22;
	v25 =	vadd.s32 s7, v0;
	v16 =	vadd.f32 v16, v3;
	v26 =	vmovc v8  }
0x47: {  	s7 =	sand.u32 $0x70, s2;
	v8 =	vand.u32 $0xF, v24;
	s2 =	smov.u32 s16;
	v24 =	vand.u32 $0xF, v25;
	[tilespmem:v10+s21+$0x0] =	vst.idx.msk $0xffff, v23;
	v10 =	vadd.f32 v17, v3  }
0x48: {  	v17 =	vor.u32 s7, v19;
	v18 =	vor.u32 s7, v18;
	v19 =	vor.u32 s7, v24;
	[tilespmem:v9+s21+$0x0] =	vst.idx.msk $0xffff, v16  }
0x49: {  	v20 =	vor.u32 s7, v20;
	v16 =	vor.u32 s7, v21;
	v9 =	vshll.u32 v19, $0x7;
	[tilespmem:v7+s21+$0x0] =	vst.idx.msk $0xffff, v10  }
0x4a: {  	v21 =	vor.u32 s7, v22;
	v22 =	vor.u32 s7, v8;
	v7 =	vadd.s32 v2, v9  }
0x4b: {  	v8 =	vor.u32 s7, v15;
	v10 =	vshll.u32 v18, $0x7;
	v9 =	vshll.u32 v17, $0x7  }
0x4c: {  	v23 =	vshll.u32 v20, $0x7;
	v15 =	vshll.u32 v16, $0x7;
	v24 =	vshll.u32 v21, $0x7  }
0x4d: {  	v25 =	vshll.u32 v8, $0x7;
	v27 =	vadd.s32 v2, v9;
	v9 =	vshll.u32 v22, $0x7  }
0x4e: {  	v23 =	vadd.s32 v2, v23;
	v28 =	vadd.s32 v2, v10;
	v15 =	vadd.s32 v2, v15  }
0x4f: {  	v25 =	vadd.s32 v2, v25;
	v24 =	vadd.s32 v2, v24;
	v29 =	vadd.s32 v2, v9;
	v30 =	vld.idx.msk [tilespmem:v7+s15+$0x0], $0xffff  }
0x50: {  	v11 =	vadd.f32 v11, v3;
	v12 =	vadd.f32 v12, v3;
	v10 =	vor.u32 v1, v17  }
0x51: {  	v13 =	vadd.f32 v13, v3;
	v31 =	vadd.f32 v14, v3;
	v9 =	vor.u32 v1, v18  }
0x52: {  	v14 =	vor.u32 v1, v20;
	v20 =	vor.u32 v1, v19;
	v7 =	vor.u32 v1, v16;
	v27 =	vld.idx.msk [tilespmem:v27+s15+$0x0], $0xffff  }
0x53: {  	s7 =	sadd.s32 $0x1, s16;
	v8 =	vor.u32 v1, v8;
	v18 =	vor.u32 v1, v21;
	v21 =	vor.u32 v1, v22;
	v16 =	vld.idx.msk [tilespmem:v28+s15+$0x0], $0xffff  }
.Ltmp2:
0x54: {  	s8 =	sadd.s32 $0x3, s16;
	v19 =	vadd.s32 s16, v0;
	v28 =	vadd.s32 s7, v0;
	s7 =	sadd.s32 $0x2, s16;
	v17 =	vld.idx.msk [tilespmem:v15+s15+$0x0], $0xffff;
	[tilespmem:v4+s21+$0x0] =	vst.idx.msk $0xffff, v11;
	v4 =	vmov v14;
	(pc) =	sbr.rel @p1 .LBB2_4-.Ltmp2, $4  }
0x55: {  	v32 =	vadd.s32 s8, v0;
	s8 =	sadd.s32 $0x5, s16;
	v14 =	vadd.s32 s7, v0;
	s7 =	sadd.s32 $0x4, s16;
	v11 =	vld.idx.msk [tilespmem:v23+s15+$0x0], $0xffff;
	v23 =	vadd.f32 v30, v3;
	[tilespmem:v6+s21+$0x0] =	vst.idx.msk $0xffff, v12  }
0x56: {  	v22 =	vadd.s32 s8, v0;
	v15 =	vand.u32 $0xF, v19;
	v30 =	vadd.s32 s7, v0;
	s7 =	sadd.s32 $0x6, s16;
	v6 =	vmovc v18;
	v12 =	vld.idx.msk [tilespmem:v24+s15+$0x0], $0xffff;
	[tilespmem:v5+s21+$0x0] =	vst.idx.msk $0xffff, v13  }
0x57: {  	v19 =	vand.u32 $0xF, v28;
	v18 =	vand.u32 $0xF, v14;
	v24 =	vadd.s32 s7, v0;
	v5 =	vmovc v21;
	v13 =	vld.idx.msk [tilespmem:v29+s15+$0x0], $0xffff;
	[tilespmem:v20+s21+$0x0] =	vst.idx.msk $0xffff, v23  }
0x58: {  	s16 =	sadd.s32 $0x8, s16;
	v21 =	vand.u32 $0xF, v32;
	s7 =	sadd.s32 $0x7, s2;
	v20 =	vand.u32 $0xF, v30;
	v23 =	vadd.f32 v27, v3;
	v14 =	vld.idx.msk [tilespmem:v25+s15+$0x0], $0xffff;
	[tilespmem:v26+s21+$0x0] =	vst.idx.msk $0xffff, v31  }
0x59: {  	v25 =	vadd.s32 s7, v0;
	v22 =	vand.u32 $0xF, v22  }
0x5a: {  	s2 =	sand.u32 $0x70, s2;
	v16 =	vadd.f32 v16, v3;
	v24 =	vand.u32 $0xF, v24;
	v17 =	vadd.f32 v17, v3  }
0x5b: {  	v25 =	vand.u32 $0xF, v25;
	v19 =	vor.u32 s2, v19;
	v18 =	vor.u32 s2, v18  }
0x5c: {  	v21 =	vor.u32 s2, v21;
	v20 =	vor.u32 s2, v20;
	v27 =	vshll.u32 v19, $0x7  }
0x5d: {  	v22 =	vor.u32 s2, v22;
	v28 =	vshll.u32 v18, $0x7;
	v27 =	vadd.s32 v2, v27  }
0x5e: {  	v24 =	vor.u32 s2, v24;
	v29 =	vshll.u32 v21, $0x7;
	v28 =	vadd.s32 v2, v28  }
0x5f: {  	v39 =	vor.u32 s2, v15;
	v30 =	vshll.u32 v20, $0x7;
	v29 =	vadd.s32 v2, v29  }
0x60: {  	v11 =	vadd.f32 v11, v3;
	v40 =	vshll.u32 v22, $0x7;
	v41 =	vadd.s32 v2, v30  }
0x61: {  	[tilespmem:v10+s21+$0x0] =	vst.idx.msk $0xffff, v23;
	v25 =	vor.u32 s2, v25;
	v43 =	vshll.u32 v24, $0x7;
	v15 =	vadd.s32 v2, v40  }
0x62: {  	[tilespmem:v9+s21+$0x0] =	vst.idx.msk $0xffff, v16;
	v26 =	vshll.u32 v25, $0x7;
	v16 =	vadd.s32 v2, v43;
	v27 =	vld.idx.msk [tilespmem:v27+s15+$0x0], $0xffff  }
0x63: {  	v42 =	vshll.u32 v39, $0x7;
	[tilespmem:v7+s21+$0x0] =	vst.idx.msk $0xffff, v17;
	v26 =	vadd.s32 v2, v26;
	v45 =	vld.idx.msk [tilespmem:v28+s15+$0x0], $0xffff  }
0x64: {  	v44 =	vadd.f32 v12, v3;
	v46 =	vor.u32 v1, v19;
	v2 =	vadd.s32 v2, v42;
	v47 =	vld.idx.msk [tilespmem:v29+s15+$0x0], $0xffff  }
0x65: {  	v48 =	vor.u32 v1, v18;
	v13 =	vadd.f32 v13, v3;
	[tilespmem:v4+s21+$0x0] =	vst.idx.msk $0xffff, v11;
	v49 =	vld.idx.msk [tilespmem:v41+s15+$0x0], $0xffff  }
0x66: {  	v52 =	vor.u32 v1, v21;
	[tilespmem:v6+s21+$0x0] =	vst.idx.msk $0xffff, v44;
	v51 =	vadd.f32 v14, v3;
	v53 =	vld.idx.msk [tilespmem:v15+s15+$0x0], $0xffff  }
0x67: {  	v54 =	vor.u32 v1, v20;
	[tilespmem:v5+s21+$0x0] =	vst.idx.msk $0xffff, v13;
	v55 =	vld.idx.msk [tilespmem:v16+s15+$0x0], $0xffff;
	v56 =	vadd.f32 v27, v3  }
0x68: {  	v57 =	vor.u32 v1, v22;
	[tilespmem:v8+s21+$0x0] =	vst.idx.msk $0xffff, v51;
	v26 =	vld.idx.msk [tilespmem:v26+s15+$0x0], $0xffff;
	v58 =	vadd.f32 v45, v3  }
0x69: {  	v59 =	vor.u32 v1, v24;
	v2 =	vld.idx.msk [tilespmem:v2+s15+$0x0], $0xffff;
	v60 =	vadd.f32 v47, v3;
	[tilespmem:v46+s21+$0x0] =	vst.idx.msk $0xffff, v56  }
0x6a: {  	s0 =	sadd.s32 $0x1, s0;
	v25 =	vor.u32 v1, v25;
	v61 =	vadd.f32 v49, v3;
	[tilespmem:v48+s21+$0x0] =	vst.idx.msk $0xffff, v58  }
0x6b: {  	p1 =	sne.s32 s0, $0x4;
	v1 =	vor.u32 v1, v39;
	v62 =	vadd.f32 v53, v3;
	[tilespmem:v52+s21+$0x0] =	vst.idx.msk $0xffff, v60  }
.Ltmp3:
0x6c: {  	v63 =	vadd.f32 v55, v3;
	[tilespmem:v54+s21+$0x0] =	vst.idx.msk $0xffff, v61;
	(pc) =	sbr.rel @p1 .LBB2_3-.Ltmp3, $4  }
0x6d: {  	v50 =	vadd.f32 v26, v3;
	[tilespmem:v57+s21+$0x0] =	vst.idx.msk $0xffff, v62  }
0x6e: {  	v2 =	vadd.f32 v2, v3;
	[tilespmem:v59+s21+$0x0] =	vst.idx.msk $0xffff, v63  }
0x6f: {  	[tilespmem:v25+s21+$0x0] =	vst.idx.msk $0xffff, v50  }
0x70: {  	[tilespmem:v1+s21+$0x0] =	vst.idx.msk $0xffff, v2  }
0x71: {  	s0 =	sshll.u32 s29, $0x13  }
0x72: {  	s0 =	sor.u32 s5, s0  }
0x73: {  	s31 =	sshrl.u32 s0, $0x3  }
0x74: {  	p1 =	seq.s32 s29, $0x63;
	s0 =	sadd.s32 s1, s31  }
0x75: {  	[hbm4b:s0+s11] =	stream.strided.scatter [tilespmem:s21], [sflag:$0x5], $0x2000, s12, s11, $0x38;
	[tilespmem:$0x12C00] =	vst v63  }
0x76: {  	s0 =	sshll.u32 @!p1 s30, $0x7  }
0x77: {  	s0 =	sadd.s32 @!p1 $0x100, s0  }
0x78: {  	s7 =	simm.s32 @!p1 $0x80;
	s8 =	simm.s32 @!p1 $0x6400;
	s2 =	sand.u32 @!p1 $0x3FFFFF80, s0  }
0x79: {  	[tilespmem:s8], [sflag:$0x1] =	stream.indirect.gather @!p1 [hbm4b:s4+s7], $0x80, s2, s7, $0xb8;
	[tilespmem:$0x12C00] =	vst v63  }
0x7a: {  	s0 =	sadd.s32 @!p1 s6, s0;
	s2 =	simm.s32 @!p1 $0x0;
	s7 =	simm.s32 @!p1 $0x12400  }
0x7b: {  	[tilespmem:s7], [sflag:$0x3] =	stream.linear.gather @!p1 [hbm4b:s0+s2], $0x400, $0x38;
	[tilespmem:$0x12C00] =	vst v63  }
0x7c: {  	_ =	swait.ge [sflag:s22], $0x4000  }
0x7d: {  	[sflag:s22] =	ssyncset.done $0x0  }
0x7e: {  	[sflag:s22] =	ssyncadd.s32 $0xFFFFC000  }
0x7f: {  	_ =	swait.ge [sflag:s23], $0x400  }
0x80: {  	[sflag:s23] =	ssyncset.done $0x0  }
0x81: {  	s0 =	simm.s32 @!p0 $0x6;
	[sflag:s23] =	ssyncadd.s32 $0xFFFFFC00  }
0x82: {  	_ =	swait.ge @!p0 [sflag:s0], $0x2000  }
0x83: {  	[sflag:s0] =	ssyncset.done @!p0 $0x0  }
0x84: {  	s2 =	simm.s32 $0x0;
	[sflag:s0] =	ssyncadd.s32 @!p0 $0xFFFFE000;
	s0 =	simm.s32 $0x0  }
.LBB2_7:
0x85: {  	s7 =	sshll.u32 s2, $0x4;
	s8 =	simm.s32 $0x1;
	v3 =	vadd.s32 s0, v0;
	s10 =	simm.s32 $0x2  }
0x86: {  	s16 =	simm.s32 $0x3;
	v2 =	vor.u32 s7, v0;
	v4 =	vadd.s32 s8, v0;
	v5 =	vadd.s32 s10, v0  }
0x87: {  	v6 =	vadd.s32 s16, v0;
	s16 =	simm.s32 $0x4;
	s10 =	simm.s32 $0x5;
	v3 =	vand.u32 $0xF, v3;
	v1 =	vshll.u32 v2, $0x7  }
0x88: {  	v7 =	vadd.s32 s16, v0;
	v8 =	vadd.s32 s10, v0;
	s16 =	simm.s32 $0x6;
	v4 =	vand.u32 $0xF, v4  }
0x89: {  	s10 =	simm.s32 $0x7;
	v5 =	vand.u32 $0xF, v5;
	v6 =	vand.u32 $0xF, v6;
	v9 =	vadd.s32 s16, v0  }
0x8a: {  	v10 =	vadd.s32 s10, v0;
	v7 =	vand.u32 $0xF, v7;
	s16 =	sand.u32 $0x70, s0;
	v8 =	vand.u32 $0xF, v8  }
0x8b: {  	v10 =	vand.u32 $0xF, v10;
	v9 =	vand.u32 $0xF, v9;
	v4 =	vor.u32 s16, v4  }
0x8c: {  	v5 =	vor.u32 s16, v5;
	v6 =	vor.u32 s16, v6;
	v11 =	vor.u32 s16, v10  }
0x8d: {  	v12 =	vor.u32 s16, v7;
	v13 =	vor.u32 s16, v8;
	v10 =	vshll.u32 v11, $0x7  }
0x8e: {  	v15 =	vor.u32 s16, v3;
	v8 =	vshll.u32 v4, $0x7;
	v7 =	vadd.s32 v2, v10  }
0x8f: {  	v14 =	vor.u32 s16, v9;
	v3 =	vshll.u32 v5, $0x7;
	v8 =	vadd.s32 v2, v8  }
0x90: {  	v9 =	vshll.u32 v6, $0x7;
	v17 =	vshll.u32 v13, $0x7;
	v16 =	vadd.s32 v2, v3  }
0x91: {  	v18 =	vshll.u32 v15, $0x7;
	v19 =	vadd.s32 v2, v9;
	v9 =	vshll.u32 v14, $0x7  }
0x92: {  	v3 =	vld [tilespmem:s7+$0x12800];
	v23 =	vadd.s32 v2, v18;
	v21 =	vadd.s32 v2, v17;
	v10 =	vshll.u32 v12, $0x7  }
0x93: {  	s8 =	simm.s32 $0xA;
	v27 =	vor.u32 v1, v11;
	v25 =	vadd.s32 v2, v9;
	v20 =	vadd.s32 v2, v10;
	v18 =	vld.idx.msk [tilespmem:v7+s17+$0x0], $0xffff  }
0x94: {  	s16 =	simm.s32 $0x8;
	v9 =	vor.u32 v1, v5;
	v5 =	vor.u32 v1, v14;
	v14 =	vadd.s32 s8, v0;
	v26 =	vld.idx.msk [tilespmem:v8+s17+$0x0], $0xffff  }
0x95: {  	s10 =	simm.s32 $0x9;
	v10 =	vor.u32 v1, v4;
	v4 =	vor.u32 v1, v12;
	v12 =	vadd.s32 s16, v0;
	v16 =	vld.idx.msk [tilespmem:v16+s17+$0x0], $0xffff  }
0x96: {  	v17 =	vld.idx.msk [tilespmem:v19+s17+$0x0], $0xffff;
	v7 =	vor.u32 v1, v6;
	v6 =	vor.u32 v1, v13;
	v13 =	vadd.s32 s10, v0;
	s10 =	simm.s32 $0xB  }
0x97: {  	s8 =	simm.s32 $0xC;
	v8 =	vor.u32 v1, v15;
	v15 =	vand.u32 $0xF, v12;
	v12 =	vld.idx.msk [tilespmem:v21+s17+$0x0], $0xffff;
	v28 =	vadd.s32 s10, v0;
	s10 =	simm.s32 $0xD  }
0x98: {  	v29 =	vadd.s32 s8, v0;
	v11 =	vld.idx.msk [tilespmem:v20+s17+$0x0], $0xffff;
	v22 =	vadd.s32 s10, v0;
	s10 =	simm.s32 $0xE;
	v20 =	vadd.f32 v18, v3  }
0x99: {  	v19 =	vand.u32 $0xF, v13;
	v13 =	vld.idx.msk [tilespmem:v25+s17+$0x0], $0xffff;
	v21 =	vand.u32 $0xF, v28;
	v24 =	vadd.s32 s10, v0  }
0x9a: {  	s7 =	simm.s32 $0x10;
	s8 =	simm.s32 $0xF;
	v18 =	vand.u32 $0xF, v14;
	v14 =	vld.idx.msk [tilespmem:v23+s17+$0x0], $0xffff;
	v23 =	vadd.f32 v26, v3;
	[tilespmem:v27+s24+$0x0] =	vst.idx.msk $0xffff, v20;
	v20 =	vand.u32 $0xF, v29  }
.LBB2_8:
0x9b: {  	p0 =	slt.u32 s7, $0x78;
	v22 =	vand.u32 $0xF, v22;
	v25 =	vadd.s32 s8, v0;
	v16 =	vadd.f32 v16, v3;
	v26 =	vmovc v8  }
0x9c: {  	s8 =	sand.u32 $0x70, s16;
	v8 =	vand.u32 $0xF, v24;
	s16 =	smov.u32 s7;
	v24 =	vand.u32 $0xF, v25;
	[tilespmem:v10+s24+$0x0] =	vst.idx.msk $0xffff, v23;
	v10 =	vadd.f32 v17, v3  }
0x9d: {  	v17 =	vor.u32 s8, v19;
	v18 =	vor.u32 s8, v18;
	v19 =	vor.u32 s8, v24;
	[tilespmem:v9+s24+$0x0] =	vst.idx.msk $0xffff, v16  }
0x9e: {  	v20 =	vor.u32 s8, v20;
	v16 =	vor.u32 s8, v21;
	v9 =	vshll.u32 v19, $0x7;
	[tilespmem:v7+s24+$0x0] =	vst.idx.msk $0xffff, v10  }
0x9f: {  	v21 =	vor.u32 s8, v22;
	v22 =	vor.u32 s8, v8;
	v7 =	vadd.s32 v2, v9  }
0xa0: {  	v8 =	vor.u32 s8, v15;
	v10 =	vshll.u32 v18, $0x7;
	v9 =	vshll.u32 v17, $0x7  }
0xa1: {  	v23 =	vshll.u32 v20, $0x7;
	v15 =	vshll.u32 v16, $0x7;
	v24 =	vshll.u32 v21, $0x7  }
0xa2: {  	v25 =	vshll.u32 v8, $0x7;
	v27 =	vadd.s32 v2, v9;
	v9 =	vshll.u32 v22, $0x7  }
0xa3: {  	v23 =	vadd.s32 v2, v23;
	v28 =	vadd.s32 v2, v10;
	v15 =	vadd.s32 v2, v15  }
0xa4: {  	v25 =	vadd.s32 v2, v25;
	v24 =	vadd.s32 v2, v24;
	v29 =	vadd.s32 v2, v9;
	v30 =	vld.idx.msk [tilespmem:v7+s17+$0x0], $0xffff  }
0xa5: {  	v11 =	vadd.f32 v11, v3;
	v12 =	vadd.f32 v12, v3;
	v10 =	vor.u32 v1, v17  }
0xa6: {  	v13 =	vadd.f32 v13, v3;
	v31 =	vadd.f32 v14, v3;
	v9 =	vor.u32 v1, v18  }
0xa7: {  	v14 =	vor.u32 v1, v20;
	v20 =	vor.u32 v1, v19;
	v7 =	vor.u32 v1, v16;
	v27 =	vld.idx.msk [tilespmem:v27+s17+$0x0], $0xffff  }
0xa8: {  	s8 =	sadd.s32 $0x1, s7;
	v8 =	vor.u32 v1, v8;
	v18 =	vor.u32 v1, v21;
	v21 =	vor.u32 v1, v22;
	v16 =	vld.idx.msk [tilespmem:v28+s17+$0x0], $0xffff  }
.Ltmp4:
0xa9: {  	s10 =	sadd.s32 $0x3, s7;
	v19 =	vadd.s32 s7, v0;
	v28 =	vadd.s32 s8, v0;
	s8 =	sadd.s32 $0x2, s7;
	v17 =	vld.idx.msk [tilespmem:v15+s17+$0x0], $0xffff;
	[tilespmem:v4+s24+$0x0] =	vst.idx.msk $0xffff, v11;
	v4 =	vmov v14;
	(pc) =	sbr.rel @p0 .LBB2_8-.Ltmp4, $4  }
0xaa: {  	v32 =	vadd.s32 s10, v0;
	s10 =	sadd.s32 $0x5, s7;
	v14 =	vadd.s32 s8, v0;
	s8 =	sadd.s32 $0x4, s7;
	v11 =	vld.idx.msk [tilespmem:v23+s17+$0x0], $0xffff;
	v23 =	vadd.f32 v30, v3;
	[tilespmem:v6+s24+$0x0] =	vst.idx.msk $0xffff, v12  }
0xab: {  	v22 =	vadd.s32 s10, v0;
	v15 =	vand.u32 $0xF, v19;
	v30 =	vadd.s32 s8, v0;
	s8 =	sadd.s32 $0x6, s7;
	v6 =	vmovc v18;
	v12 =	vld.idx.msk [tilespmem:v24+s17+$0x0], $0xffff;
	[tilespmem:v5+s24+$0x0] =	vst.idx.msk $0xffff, v13  }
0xac: {  	v19 =	vand.u32 $0xF, v28;
	v18 =	vand.u32 $0xF, v14;
	v24 =	vadd.s32 s8, v0;
	v5 =	vmovc v21;
	v13 =	vld.idx.msk [tilespmem:v29+s17+$0x0], $0xffff;
	[tilespmem:v20+s24+$0x0] =	vst.idx.msk $0xffff, v23  }
0xad: {  	s7 =	sadd.s32 $0x8, s7;
	v21 =	vand.u32 $0xF, v32;
	s8 =	sadd.s32 $0x7, s16;
	v20 =	vand.u32 $0xF, v30;
	v23 =	vadd.f32 v27, v3;
	v14 =	vld.idx.msk [tilespmem:v25+s17+$0x0], $0xffff;
	[tilespmem:v26+s24+$0x0] =	vst.idx.msk $0xffff, v31  }
0xae: {  	v25 =	vadd.s32 s8, v0;
	v22 =	vand.u32 $0xF, v22  }
0xaf: {  	s7 =	sand.u32 $0x70, s16;
	v16 =	vadd.f32 v16, v3;
	v24 =	vand.u32 $0xF, v24;
	v17 =	vadd.f32 v17, v3  }
0xb0: {  	v25 =	vand.u32 $0xF, v25;
	v19 =	vor.u32 s7, v19;
	v18 =	vor.u32 s7, v18  }
0xb1: {  	v21 =	vor.u32 s7, v21;
	v20 =	vor.u32 s7, v20;
	v27 =	vshll.u32 v19, $0x7  }
0xb2: {  	v22 =	vor.u32 s7, v22;
	v28 =	vshll.u32 v18, $0x7;
	v27 =	vadd.s32 v2, v27  }
0xb3: {  	v24 =	vor.u32 s7, v24;
	v29 =	vshll.u32 v21, $0x7;
	v28 =	vadd.s32 v2, v28  }
0xb4: {  	v39 =	vor.u32 s7, v15;
	v30 =	vshll.u32 v20, $0x7;
	v29 =	vadd.s32 v2, v29  }
0xb5: {  	v11 =	vadd.f32 v11, v3;
	v40 =	vshll.u32 v22, $0x7;
	v41 =	vadd.s32 v2, v30  }
0xb6: {  	[tilespmem:v10+s24+$0x0] =	vst.idx.msk $0xffff, v23;
	v25 =	vor.u32 s7, v25;
	v43 =	vshll.u32 v24, $0x7;
	v15 =	vadd.s32 v2, v40  }
0xb7: {  	[tilespmem:v9+s24+$0x0] =	vst.idx.msk $0xffff, v16;
	v26 =	vshll.u32 v25, $0x7;
	v16 =	vadd.s32 v2, v43;
	v27 =	vld.idx.msk [tilespmem:v27+s17+$0x0], $0xffff  }
0xb8: {  	v42 =	vshll.u32 v39, $0x7;
	[tilespmem:v7+s24+$0x0] =	vst.idx.msk $0xffff, v17;
	v26 =	vadd.s32 v2, v26;
	v45 =	vld.idx.msk [tilespmem:v28+s17+$0x0], $0xffff  }
0xb9: {  	v44 =	vadd.f32 v12, v3;
	v46 =	vor.u32 v1, v19;
	v2 =	vadd.s32 v2, v42;
	v47 =	vld.idx.msk [tilespmem:v29+s17+$0x0], $0xffff  }
0xba: {  	v48 =	vor.u32 v1, v18;
	v13 =	vadd.f32 v13, v3;
	[tilespmem:v4+s24+$0x0] =	vst.idx.msk $0xffff, v11;
	v49 =	vld.idx.msk [tilespmem:v41+s17+$0x0], $0xffff  }
0xbb: {  	v52 =	vor.u32 v1, v21;
	[tilespmem:v6+s24+$0x0] =	vst.idx.msk $0xffff, v44;
	v51 =	vadd.f32 v14, v3;
	v53 =	vld.idx.msk [tilespmem:v15+s17+$0x0], $0xffff  }
0xbc: {  	v54 =	vor.u32 v1, v20;
	[tilespmem:v5+s24+$0x0] =	vst.idx.msk $0xffff, v13;
	v55 =	vld.idx.msk [tilespmem:v16+s17+$0x0], $0xffff;
	v56 =	vadd.f32 v27, v3  }
0xbd: {  	v57 =	vor.u32 v1, v22;
	[tilespmem:v8+s24+$0x0] =	vst.idx.msk $0xffff, v51;
	v26 =	vld.idx.msk [tilespmem:v26+s17+$0x0], $0xffff;
	v58 =	vadd.f32 v45, v3  }
0xbe: {  	v59 =	vor.u32 v1, v24;
	v2 =	vld.idx.msk [tilespmem:v2+s17+$0x0], $0xffff;
	v60 =	vadd.f32 v47, v3;
	[tilespmem:v46+s24+$0x0] =	vst.idx.msk $0xffff, v56  }
0xbf: {  	s2 =	sadd.s32 $0x1, s2;
	v25 =	vor.u32 v1, v25;
	v61 =	vadd.f32 v49, v3;
	[tilespmem:v48+s24+$0x0] =	vst.idx.msk $0xffff, v58  }
0xc0: {  	p0 =	sne.s32 s2, $0x4;
	v1 =	vor.u32 v1, v39;
	v62 =	vadd.f32 v53, v3;
	[tilespmem:v52+s24+$0x0] =	vst.idx.msk $0xffff, v60  }
.Ltmp5:
0xc1: {  	v63 =	vadd.f32 v55, v3;
	[tilespmem:v54+s24+$0x0] =	vst.idx.msk $0xffff, v61;
	(pc) =	sbr.rel @p0 .LBB2_7-.Ltmp5, $4  }
0xc2: {  	v50 =	vadd.f32 v26, v3;
	[tilespmem:v57+s24+$0x0] =	vst.idx.msk $0xffff, v62  }
0xc3: {  	v2 =	vadd.f32 v2, v3;
	[tilespmem:v59+s24+$0x0] =	vst.idx.msk $0xffff, v63  }
0xc4: {  	[tilespmem:v25+s24+$0x0] =	vst.idx.msk $0xffff, v50  }
0xc5: {  	[tilespmem:v1+s24+$0x0] =	vst.idx.msk $0xffff, v2  }
.Ltmp6:
0xc6: {  	(pc) =	sbr.rel @p1 .LBB2_12-.Ltmp6, $3  }
0xc7: {  	_ =	sdelay $0x1  }
0xc8: {  	s0 =	sadd.s32 s31, s9  }
0xc9: {  	[hbm4b:s0+s11] =	stream.strided.scatter [tilespmem:s24], [sflag:$0x6], $0x2000, s12, s11, $0x38;
	[tilespmem:$0x12C00] =	vst v63  }
0xca: {  	s0 =	sshll.u32 s30, $0x7  }
.Ltmp7:
0xcb: {  	s0 =	sadd.s32 $0x180, s0;
	(pc) =	sbr.rel .LBB2_2-.Ltmp7, $4  }
0xcc: {  	s2 =	sand.u32 $0x3FFFFF80, s0  }
0xcd: {  	[tilespmem:s17], [sflag:$0x2] =	stream.indirect.gather [hbm4b:s4+s14], $0x80, s2, s14, $0xb8;
	[tilespmem:$0x12C00] =	vst v63  }
0xce: {  	s29 =	sadd.s32 $0x1, s29;
	s0 =	sadd.s32 s6, s0  }
0xcf: {  	[tilespmem:s18], [sflag:$0x4] =	stream.linear.gather [hbm4b:s0+s3], $0x400, $0x38;
	[tilespmem:$0x12C00] =	vst v63  }
.LBB2_13:
0xd0: {  	_ =	sfence.sel $0x180000  }
0xd1: {  	[bflag:$0x0] =	sbarrier.arrive $0xFFFF  }
0xd2: {  	_ =	strace $0x90000047  }
0xd3: {  	s0 =	stileid.u32;
	[bflag:$0x2] =	sbarrier.arrive $0xFFFF  }
0xd4: {  	p0 =	sne.s32 s0, $0x0;
	s0 =	rddreg [dreg:$0x3]  }
0xd5: {  	s0 =	sadd.s32 @!p0 $0x100000, s0  }
0xd6: {  	[sflag:s0] =	ssyncadd.tile.s32 @!p0 $0x1;
	_ =	shalt  }
.Lfunc_end2:
_tile_overlayer_lowered:
.L_overlay_start_2:
0xd7: {  	(tag) =	ssettag $0x2  }
0xd8: {  	s0 =	rddreg [dreg:$0x0];
	s2 =	stileid.u32  }
0xd9: {  	s1 =	rddreg [dreg:$0x1];
	p0 =	sne.s32 s2, $0x0  }
0xda: {  	s3 =	rddreg [dreg:$0x2];
	[bflag:$0x3] =	sbarrier.arrive $0xFFFF;
	s2 =	simm.s32 @!p0 $0x1C07  }
0xdb: {  	[timem:s3], [sflag:s2] =	dma.local @!p0 [hbm:s0], s1  }
0xdc: {  	s0 =	simm.s32 @!p0 $0x7  }
0xdd: {  	_ =	swait.ge @!p0 [sflag:s0], s1  }
0xde: {  	s1 =	ssub.s32 @!p0 $0x0, s1;
	[sflag:s0] =	ssyncset.done @!p0 $0x0  }
0xdf: {  	[sflag:s0] =	ssyncadd.s32 @!p0 s1  }
0xe0: {  	[bflag:$0x3] =	sbarrier.arrive $0xFFFF  }
0xe1: {  	_ =	shalt  }

</sc_bundles>
